<compile_context>
chip_gen: v7x
topology: tpu7x:2x2x1
jax: 0.10.2.dev20260603
libtpu: 0.0.44.dev20260713+nightly
codegen_flags: <defaults>
</compile_context>

<pallas_src>
import functools

import jax
import jax.numpy as jnp
from jax import lax
from jax.experimental import pallas as pl
from jax.experimental.pallas import tpu as pltpu
from jax.experimental.pallas import tpu_sc as plsc

N = 10000
E = 320000
F_IN = 128
HID = 128
OUT = 65
D2 = 96
NP = 10240
NC = 2
NS = 16
NW = NC * NS
K = 80
EPT = E // NS
NCH = EPT // K
KD = 40
EPW = E // NW
NCHD = EPW // KD
ROWS_PER_TILE = NP // NS
ZR = 128
BN = 2000
GRID = N // BN

_sc_params = pltpu.CompilerParams(use_tc_tiling_on_sc=False)


@functools.cache
def _mesh():
    return plsc.VectorSubcoreMesh(core_axis_name="c", subcore_axis_name="s",
                                  num_cores=NC, num_subcores=NS)


DEGW = 10


def _deg_body(dst_hbm, out_hbm, dst_v, ones_v, zbuf, acc, sem):
    c = lax.axis_index("c")
    s = lax.axis_index("s")
    wid = s * NC + c

    def _zfill(i, _):
        zbuf[pl.ds(i * 16, 16)] = jnp.zeros((16,), jnp.float32)
        return 0
    lax.fori_loop(0, ROWS_PER_TILE // 16, _zfill, 0)

    def _ofill(i, _):
        ones_v[pl.ds(i * 16, 16)] = jnp.ones((16,), jnp.float32)
        return 0
    lax.fori_loop(0, 48 // 16, _ofill, 0)

    pltpu.sync_copy(zbuf, acc.at[pl.ds(s * ROWS_PER_TILE, ROWS_PER_TILE)])
    plsc.subcore_barrier()

    pltpu.sync_copy(dst_hbm.at[wid], dst_v)
    ones = ones_v.at[pl.ds(0, KD)]

    def _fire(jj, _):
        for b in range(DEGW):
            pltpu.async_copy(ones, acc.at[dst_v.at[jj * DEGW + b]], sem,
                             add=True)
        for b in range(DEGW):
            pltpu.make_async_copy(ones, acc.at[dst_v.at[jj * DEGW + b]],
                                  sem).wait()
        return 0
    lax.fori_loop(0, NCHD // DEGW, _fire, 0)

    plsc.subcore_barrier()
    pltpu.sync_copy(acc.at[pl.ds(s * ROWS_PER_TILE, ROWS_PER_TILE)],
                    out_hbm.at[c, 0, pl.ds(s * ROWS_PER_TILE, ROWS_PER_TILE)])


@jax.jit
def _deg_call(dst3d):
    return pl.kernel(
        _deg_body,
        out_type=jax.ShapeDtypeStruct((NC, 1, NP), jnp.float32),
        mesh=_mesh(),
        scratch_types=[
            pltpu.VMEM((NCHD, KD), jnp.int32),
            pltpu.VMEM((48,), jnp.float32),
            pltpu.VMEM((ROWS_PER_TILE,), jnp.float32),
            pltpu.VMEM_SHARED((NP,), jnp.float32),
            pltpu.SemaphoreType.DMA,
        ],
    )(dst3d)


def _agg_pipeline(g_hbm, src_v, dst_v, buf0, buf1, acc, sem0, sem1):
    def _gather_start(j, buf, sem):
        pltpu.async_copy(g_hbm.at[src_v.at[j]], buf, sem)

    def _gather_wait(j, buf, sem):
        pltpu.make_async_copy(g_hbm.at[src_v.at[j]], buf, sem).wait()

    _gather_start(0, buf0, sem0)

    def _step(jj, _):
        j0 = jj * 2
        j1 = j0 + 1
        _gather_start(j1, buf1, sem1)
        _gather_wait(j0, buf0, sem0)
        pltpu.sync_copy(buf0, acc.at[dst_v.at[j0]], add=True)

        @pl.when(j1 + 1 < NCH)
        def _():
            _gather_start(j1 + 1, buf0, sem0)
        _gather_wait(j1, buf1, sem1)
        pltpu.sync_copy(buf1, acc.at[dst_v.at[j1]], add=True)
        return 0
    lax.fori_loop(0, NCH // 2, _step, 0)


def _agg_body(dh, gl_hbm, gr_hbm, src_hbm, dst_hbm, out_hbm,
              src_v, dst_v, buf0, buf1, zbuf, acc, sem0, sem1):
    c = lax.axis_index("c")
    s = lax.axis_index("s")

    def _zero(i, _):
        for j in range(dh // 16):
            zbuf[i, pl.ds(j * 16, 16)] = jnp.zeros((16,), jnp.float32)
        return 0
    lax.fori_loop(0, ZR, _zero, 0)
    for k in range(ROWS_PER_TILE // ZR):
        pltpu.sync_copy(zbuf, acc.at[pl.ds(s * ROWS_PER_TILE + k * ZR, ZR)])
    plsc.subcore_barrier()

    pltpu.sync_copy(src_hbm.at[s], src_v)
    pltpu.sync_copy(dst_hbm.at[s], dst_v)

    @pl.when(c == 0)
    def _():
        _agg_pipeline(gl_hbm, src_v, dst_v, buf0, buf1, acc, sem0, sem1)

    @pl.when(c == 1)
    def _():
        _agg_pipeline(gr_hbm, src_v, dst_v, buf0, buf1, acc, sem0, sem1)

    plsc.subcore_barrier()
    pltpu.sync_copy(acc.at[pl.ds(s * ROWS_PER_TILE, ROWS_PER_TILE)],
                    out_hbm.at[pl.ds(s * ROWS_PER_TILE, ROWS_PER_TILE), c])


def _make_agg(dh):
    @jax.jit
    def agg(gl, gr, src3d, dst3d):
        return pl.kernel(
            functools.partial(_agg_body, dh),
            out_type=jax.ShapeDtypeStruct((NP, NC, dh), jnp.float32),
            mesh=_mesh(),
            scratch_types=[
                pltpu.VMEM((NCH, K), jnp.int32),
                pltpu.VMEM((NCH, K), jnp.int32),
                pltpu.VMEM((K, dh), jnp.float32),
                pltpu.VMEM((K, dh), jnp.float32),
                pltpu.VMEM((ZR, dh), jnp.float32),
                pltpu.VMEM_SHARED((NP, dh), jnp.float32),
                pltpu.SemaphoreType.DMA,
                pltpu.SemaphoreType.DMA,
            ],
            compiler_params=_sc_params,
        )(gl, gr, src3d, dst3d)
    return agg


_agg1 = _make_agg(HID // 2)
_agg2 = _make_agg(D2 // 2)


def _tc1_body(x_ref, w1_ref, degt_ref, gl_ref, gr_ref, dinv_ref):
    h = jnp.dot(x_ref[...], w1_ref[...], preferred_element_type=jnp.float32,
                precision=lax.Precision.HIGHEST)
    deg = jnp.sum(degt_ref[...], axis=1, keepdims=True) + 1.0
    dinv = lax.rsqrt(deg)
    dinv_ref[...] = dinv
    g = h * dinv
    gl_ref[...] = g[:, :HID // 2]
    gr_ref[...] = g[:, HID // 2:]


@jax.jit
def _tc1(x_p, W1, degp_t):
    return pl.pallas_call(
        _tc1_body,
        grid=(GRID,),
        in_specs=[
            pl.BlockSpec((BN, F_IN), lambda i: (i, 0)),
            pl.BlockSpec((F_IN, HID), lambda i: (0, 0)),
            pl.BlockSpec((BN, NC), lambda i: (i, 0)),
        ],
        out_specs=[
            pl.BlockSpec((BN, HID // 2), lambda i: (i, 0)),
            pl.BlockSpec((BN, HID // 2), lambda i: (i, 0)),
            pl.BlockSpec((BN, 1), lambda i: (i, 0)),
        ],
        out_shape=[
            jax.ShapeDtypeStruct((N, HID // 2), jnp.float32),
            jax.ShapeDtypeStruct((N, HID // 2), jnp.float32),
            jax.ShapeDtypeStruct((N, 1), jnp.float32),
        ],
    )(x_p, W1, degp_t)


def _tc2_body(acc_ref, gl_ref, gr_ref, dinv_ref, b1_ref, w2_ref,
              g2l_ref, g2r_ref):
    g1 = jnp.concatenate([gl_ref[...], gr_ref[...]], axis=1)
    dinv = dinv_ref[...]
    h1 = jnp.maximum(dinv * (acc_ref[...] + g1) + b1_ref[...], 0.0)
    g2 = jnp.dot(h1, w2_ref[...], preferred_element_type=jnp.float32,
                 precision=lax.Precision.HIGHEST) * dinv
    g2l_ref[...] = g2[:, :D2 // 2]
    g2r_ref[...] = g2[:, D2 // 2:]


@jax.jit
def _tc2(acc1, gl, gr, dinv, b1r, W2p):
    return pl.pallas_call(
        _tc2_body,
        grid=(GRID,),
        in_specs=[
            pl.BlockSpec((BN, HID), lambda i: (i, 0)),
            pl.BlockSpec((BN, HID // 2), lambda i: (i, 0)),
            pl.BlockSpec((BN, HID // 2), lambda i: (i, 0)),
            pl.BlockSpec((BN, 1), lambda i: (i, 0)),
            pl.BlockSpec((1, HID), lambda i: (0, 0)),
            pl.BlockSpec((HID, D2), lambda i: (0, 0)),
        ],
        out_specs=[
            pl.BlockSpec((BN, D2 // 2), lambda i: (i, 0)),
            pl.BlockSpec((BN, D2 // 2), lambda i: (i, 0)),
        ],
        out_shape=[
            jax.ShapeDtypeStruct((N, D2 // 2), jnp.float32),
            jax.ShapeDtypeStruct((N, D2 // 2), jnp.float32),
        ],
    )(acc1, gl, gr, dinv, b1r, W2p)


def _tc3_body(acc_ref, g2l_ref, g2r_ref, dinv_ref, b2_ref, out_ref):
    g2 = jnp.concatenate([g2l_ref[...], g2r_ref[...]], axis=1)
    z = dinv_ref[...] * (acc_ref[...] + g2) + b2_ref[...]
    m = jnp.max(z, axis=1, keepdims=True)
    lse = jnp.log(jnp.sum(jnp.exp(z - m), axis=1, keepdims=True)) + m
    out_ref[...] = z - lse


@jax.jit
def _tc3(acc2, g2l, g2r, dinv, b2p):
    return pl.pallas_call(
        _tc3_body,
        grid=(GRID,),
        in_specs=[
            pl.BlockSpec((BN, D2), lambda i: (i, 0)),
            pl.BlockSpec((BN, D2 // 2), lambda i: (i, 0)),
            pl.BlockSpec((BN, D2 // 2), lambda i: (i, 0)),
            pl.BlockSpec((BN, 1), lambda i: (i, 0)),
            pl.BlockSpec((1, D2), lambda i: (0, 0)),
        ],
        out_specs=pl.BlockSpec((BN, D2), lambda i: (i, 0)),
        out_shape=jax.ShapeDtypeStruct((N, D2), jnp.float32),
    )(acc2, g2l, g2r, dinv, b2p)


def kernel(x, edge_index, W1, b1, W2, b2):
    src = edge_index[0]
    dst = edge_index[1]
    src3d = src.reshape(NS, NCH, K)
    dst3d = dst.reshape(NS, NCH, K)
    dst3d_deg = dst.reshape(NW, NCHD, KD)
    W2p = jnp.pad(W2, ((0, 0), (0, D2 - OUT)))
    b1r = b1.reshape(1, HID)
    b2p = jnp.concatenate(
        [b2, jnp.full((D2 - OUT,), -1e30, jnp.float32)]).reshape(1, D2)

    degp = _deg_call(dst3d_deg)
    gl, gr, dinv = _tc1(x, W1, degp.reshape(NC, NP).T)
    acc1 = _agg1(gl, gr, src3d, dst3d)
    g2l, g2r = _tc2(acc1.reshape(NP, HID), gl, gr, dinv, b1r, W2p)
    acc2 = _agg2(g2l, g2r, src3d, dst3d)
    out96 = _tc3(acc2.reshape(NP, D2), g2l, g2r, dinv, b2p)
    return out96[:, :OUT]

# --- scband reference (transcript-rebuilt; emitter-appended) ---
"""Pipeline reference for scband-rgnn-37495064494211 (READ-ONLY COPY).

The authoritative reference and input builder live on the scoring server;
editing this copy changes nothing except your own understanding.
"""

import jax, jax.numpy as jnp
import numpy as np

N = 10000
E = 320000
F_IN = 128
HID = 128
NUM_CLASSES = 64
OUT = NUM_CLASSES + 1


def setup_inputs(seed: int = 0) -> dict:
    key = jax.random.key(seed)
    k1, k2, k3, k4 = jax.random.split(key, 4)
    x = jax.random.normal(k1, (N, F_IN), dtype=jnp.float32)
    edge_index = jax.random.randint(k2, (2, E), 0, N, dtype=jnp.int32)
    W1 = jax.random.normal(k3, (F_IN, HID), dtype=jnp.float32) * (1.0 / np.sqrt(F_IN))
    b1 = jnp.zeros((HID,), dtype=jnp.float32)
    W2 = jax.random.normal(k4, (HID, OUT), dtype=jnp.float32) * (1.0 / np.sqrt(HID))
    b2 = jnp.zeros((OUT,), dtype=jnp.float32)
    return {"x": x, "edge_index": edge_index, "W1": W1, "b1": b1, "W2": W2, "b2": b2}


def _gcn_conv(x, src, dst, W, b, num_nodes):
    # GCNConv with added self-loops and symmetric normalization (PyG semantics)
    h = x @ W
    loop = jnp.arange(num_nodes, dtype=src.dtype)
    src_sl = jnp.concatenate([src, loop])
    dst_sl = jnp.concatenate([dst, loop])
    deg = jnp.zeros((num_nodes,), dtype=h.dtype).at[dst_sl].add(1.0)
    deg_inv_sqrt = jnp.where(deg > 0, deg ** -0.5, 0.0)
    norm = deg_inv_sqrt[src_sl] * deg_inv_sqrt[dst_sl]
    msg = jnp.take(h, src_sl, axis=0) * norm[:, None]
    out = jnp.zeros((num_nodes, h.shape[1]), dtype=h.dtype).at[dst_sl].add(msg)
    return out + b


def reference(x, edge_index, W1, b1, W2, b2):
    src = edge_index[0]
    dst = edge_index[1]
    h = _gcn_conv(x, src, dst, W1, b1, N)
    h = jax.nn.relu(h)
    # F.dropout(x, training=self.training) is identity in eval mode
    h = _gcn_conv(h, src, dst, W2, b2, N)
    return jax.nn.log_softmax(h, axis=1)

if __name__ == "__main__":
    import jax
    _d = setup_inputs()
    print(jax.jit(kernel)(*tuple(_d.values())))

</pallas_src>

<mosaic_0001>
#map = affine_map<(d0, d1) -> (0, 0, 0)>
module attributes {stable_mosaic.version = 14 : i64} {
  func.func @_deg_body(%arg0: i32, %arg1: i32, %arg2: memref<32x250x40xi32, #tpu.memory_space<hbm>>, %arg3: memref<2x1x10240xf32, #tpu.memory_space<hbm>>, %arg4: memref<250x40xi32, #tpu.memory_space<vmem>>, %arg5: memref<48xf32, #tpu.memory_space<vmem>>, %arg6: memref<640xf32, #tpu.memory_space<vmem>>, %arg7: memref<10240xf32, #tpu.memory_space<vmem_shared>>, %arg8: memref<!tpu.dma_semaphore, #tpu.memory_space<semaphore_mem>>) attributes {dimension_semantics = [#tpu.dimension_semantics<core_parallel>, #tpu.dimension_semantics<subcore_parallel>], iteration_bounds = array<i64: 2, 16>, scalar_prefetch = 0 : i64, scratch_operands = 5 : i64, tpu.core_type = #tpu.core_type<sc_vector_subcore>, window_params = [{transform_indices = #map}, {transform_indices = #map}]} {
    %mul3A = arith.constant 2 : i32
    %mul3A_0 = arith.muli %arg1, %mul3A : i32
    %add3A = arith.addi %mul3A_0, %arg0 : i32
    %scan3A = arith.constant 0 : i32
    %scan3A_1 = arith.constant 0 : i32
    %scan3A_2 = arith.constant 40 : i32
    %scan3A_3 = arith.addi %scan3A_1, %scan3A_2 : i32
    %scan3A_4 = arith.constant 1 : i32
    %scan3A_5 = scf.for %scan3A_28 = %scan3A_1 to %scan3A_3 step %scan3A_4 iter_args(%scan3A_29 = %scan3A) -> (i32)  : i32 {
      %broadcast_in_dim3A = arith.constant 0.000000e+00 : f32
      %broadcast_in_dim3A_30 = vector.broadcast %broadcast_in_dim3A : f32 to vector<16xf32>
      %mul3A_31 = arith.constant 16 : i32
      %mul3A_32 = arith.muli %scan3A_28, %mul3A_31 : i32
      %swap3A = arith.index_cast %mul3A_32 : i32 to index
      %swap3A_33 = tpu.vector_load %arg6[%swap3A] {strides = array<i32>} : memref<640xf32, #tpu.memory_space<vmem>>, vector<16xf32>,
      %swap3A_34 = vector.shape_cast %swap3A_33 : vector<16xf32> to vector<16xf32>
      %swap3A_35 = vector.shape_cast %broadcast_in_dim3A_30 : vector<16xf32> to vector<16xf32>
      tpu.vector_store %arg6[%swap3A], %swap3A_35 {strides = array<i32>} : memref<640xf32, #tpu.memory_space<vmem>>, vector<16xf32>,
      %scan3A_36 = arith.constant 0 : i32
      scf.yield %scan3A_36 : i32
    }
    %scan3A_6 = arith.constant 40 : i32
    %scan3A_7 = arith.constant 0 : i32
    %scan3A_8 = arith.constant 0 : i32
    %scan3A_9 = arith.constant 3 : i32
    %scan3A_10 = arith.addi %scan3A_8, %scan3A_9 : i32
    %scan3A_11 = arith.constant 1 : i32
    %scan3A_12 = scf.for %scan3A_28 = %scan3A_8 to %scan3A_10 step %scan3A_11 iter_args(%scan3A_29 = %scan3A_7) -> (i32)  : i32 {
      %broadcast_in_dim3A = arith.constant 1.000000e+00 : f32
      %broadcast_in_dim3A_30 = vector.broadcast %broadcast_in_dim3A : f32 to vector<16xf32>
      %mul3A_31 = arith.constant 16 : i32
      %mul3A_32 = arith.muli %scan3A_28, %mul3A_31 : i32
      %swap3A = arith.index_cast %mul3A_32 : i32 to index
      %swap3A_33 = tpu.vector_load %arg5[%swap3A] {strides = array<i32>} : memref<48xf32, #tpu.memory_space<vmem>>, vector<16xf32>,
      %swap3A_34 = vector.shape_cast %swap3A_33 : vector<16xf32> to vector<16xf32>
      %swap3A_35 = vector.shape_cast %broadcast_in_dim3A_30 : vector<16xf32> to vector<16xf32>
      tpu.vector_store %arg5[%swap3A], %swap3A_35 {strides = array<i32>} : memref<48xf32, #tpu.memory_space<vmem>>, vector<16xf32>,
      %scan3A_36 = arith.constant 0 : i32
      scf.yield %scan3A_36 : i32
    }
    %scan3A_13 = arith.constant 3 : i32
    %mul3A_14 = arith.constant 640 : i32
    %mul3A_15 = arith.muli %arg1, %mul3A_14 : i32
    "tpu.region"() ({
      %run_scoped3A_28 = tpu.sem_alloc : memref<!tpu.dma_semaphore, #tpu.memory_space<semaphore_mem>>
      %dma_start3A = tpu.memref_slice %arg7[%mul3A_15] : memref<10240xf32, #tpu.memory_space<vmem_shared>> -> memref<640xf32, #tpu.memory_space<vmem_shared>>
      %dma_start3A_29 = tpu.memref_slice %arg7[%mul3A_15] : memref<10240xf32, #tpu.memory_space<vmem_shared>> -> memref<640xf32, #tpu.memory_space<vmem_shared>>
      tpu.enqueue_dma source(%arg6 : memref<640xf32, #tpu.memory_space<vmem>>) target(%dma_start3A_29 : memref<640xf32, #tpu.memory_space<vmem_shared>>) target_semaphore(%run_scoped3A_28 : memref<!tpu.dma_semaphore, #tpu.memory_space<semaphore_mem>>)
      %dma_wait3A = tpu.memref_slice %arg7[%mul3A_15] : memref<10240xf32, #tpu.memory_space<vmem_shared>> -> memref<640xf32, #tpu.memory_space<vmem_shared>>
      %dma_wait3A_30 = tpu.memref_slice %arg7[%mul3A_15] : memref<10240xf32, #tpu.memory_space<vmem_shared>> -> memref<640xf32, #tpu.memory_space<vmem_shared>>
      tpu.wait_dma2 semaphore(%run_scoped3A_28 : memref<!tpu.dma_semaphore, #tpu.memory_space<semaphore_mem>>) src(%arg6 : memref<640xf32, #tpu.memory_space<vmem>>) dst(%dma_wait3A_30 : memref<640xf32, #tpu.memory_space<vmem_shared>>)
      tpu.yield
    }) : () -> ()
    %barrier3A = arith.constant 0 : index
    tpu.barrier barrier_id(%barrier3A)
    "tpu.region"() ({
      %run_scoped3A_28 = tpu.sem_alloc : memref<!tpu.dma_semaphore, #tpu.memory_space<semaphore_mem>>
      %dma_start3A = arith.constant 0 : i32
      %dma_start3A_29 = arith.constant 0 : i32
      %dma_start3A_30 = tpu.memref_slice %arg2[%add3A, %dma_start3A, %dma_start3A_29] : memref<32x250x40xi32, #tpu.memory_space<hbm>> -> memref<1x250x40xi32, #tpu.memory_space<hbm>>
      %dma_start3A_31 = tpu.memref_squeeze %dma_start3A_30 : memref<1x250x40xi32, #tpu.memory_space<hbm>> -> memref<250x40xi32, #tpu.memory_space<hbm>>
      %dma_start3A_32 = arith.constant 0 : i32
      %dma_start3A_33 = arith.constant 0 : i32
      %dma_start3A_34 = tpu.memref_slice %arg2[%add3A, %dma_start3A_32, %dma_start3A_33] : memref<32x250x40xi32, #tpu.memory_space<hbm>> -> memref<1x250x40xi32, #tpu.memory_space<hbm>>
      %dma_start3A_35 = tpu.memref_squeeze %dma_start3A_34 : memref<1x250x40xi32, #tpu.memory_space<hbm>> -> memref<250x40xi32, #tpu.memory_space<hbm>>
      tpu.enqueue_dma source(%dma_start3A_35 : memref<250x40xi32, #tpu.memory_space<hbm>>) target(%arg4 : memref<250x40xi32, #tpu.memory_space<vmem>>) target_semaphore(%run_scoped3A_28 : memref<!tpu.dma_semaphore, #tpu.memory_space<semaphore_mem>>)
      %dma_wait3A = arith.constant 0 : i32
      %dma_wait3A_36 = arith.constant 0 : i32
      %dma_wait3A_37 = tpu.memref_slice %arg2[%add3A, %dma_wait3A, %dma_wait3A_36] : memref<32x250x40xi32, #tpu.memory_space<hbm>> -> memref<1x250x40xi32, #tpu.memory_space<hbm>>
      %dma_wait3A_38 = tpu.memref_squeeze %dma_wait3A_37 : memref<1x250x40xi32, #tpu.memory_space<hbm>> -> memref<250x40xi32, #tpu.memory_space<hbm>>
      %dma_wait3A_39 = arith.constant 0 : i32
      %dma_wait3A_40 = arith.constant 0 : i32
      %dma_wait3A_41 = tpu.memref_slice %arg2[%add3A, %dma_wait3A_39, %dma_wait3A_40] : memref<32x250x40xi32, #tpu.memory_space<hbm>> -> memref<1x250x40xi32, #tpu.memory_space<hbm>>
      %dma_wait3A_42 = tpu.memref_squeeze %dma_wait3A_41 : memref<1x250x40xi32, #tpu.memory_space<hbm>> -> memref<250x40xi32, #tpu.memory_space<hbm>>
      tpu.wait_dma2 semaphore(%run_scoped3A_28 : memref<!tpu.dma_semaphore, #tpu.memory_space<semaphore_mem>>) src(%dma_wait3A_42 : memref<250x40xi32, #tpu.memory_space<hbm>>) dst(%arg4 : memref<250x40xi32, #tpu.memory_space<vmem>>)
      tpu.yield
    }) : () -> ()
    %scan3A_16 = arith.constant 0 : i32
    %scan3A_17 = arith.constant 0 : i32
    %scan3A_18 = arith.constant 25 : i32
    %scan3A_19 = arith.addi %scan3A_17, %scan3A_18 : i32
    %scan3A_20 = arith.constant 1 : i32
    %scan3A_21 = scf.for %scan3A_28 = %scan3A_17 to %scan3A_19 step %scan3A_20 iter_args(%scan3A_29 = %scan3A_16) -> (i32)  : i32 {
      %mul3A_30 = arith.constant 10 : i32
      %mul3A_31 = arith.muli %scan3A_28, %mul3A_30 : i32
      %add3A_32 = arith.constant 0 : i32
      %add3A_33 = arith.addi %mul3A_31, %add3A_32 : i32
      %dma_start3A = arith.constant 0 : i32
      %dma_start3A_34 = tpu.memref_slice %arg5[%dma_start3A] : memref<48xf32, #tpu.memory_space<vmem>> -> memref<40xf32, #tpu.memory_space<vmem>>
      %dma_start3A_35 = arith.constant 0 : i32
      %dma_start3A_36 = tpu.memref_slice %arg4[%add3A_33, %dma_start3A_35] : memref<250x40xi32, #tpu.memory_space<vmem>> -> memref<1x40xi32, #tpu.memory_space<vmem>>
      %dma_start3A_37 = tpu.memref_squeeze %dma_start3A_36 : memref<1x40xi32, #tpu.memory_space<vmem>> -> memref<40xi32, #tpu.memory_space<vmem>>
      %dma_start3A_38 = arith.constant 0 : i32
      %dma_start3A_39 = tpu.memref_slice %arg7[%dma_start3A_38] : memref<10240xf32, #tpu.memory_space<vmem_shared>> -> memref<10240xf32, #tpu.memory_space<vmem_shared>>
      tpu.enqueue_indirect_dma source(%dma_start3A_34 : memref<40xf32, #tpu.memory_space<vmem>>) target(%dma_start3A_39 : memref<10240xf32, #tpu.memory_space<vmem_shared>>) offsets(%dma_start3A_37 : memref<40xi32, #tpu.memory_space<vmem>>) semaphore(%arg8 : memref<!tpu.dma_semaphore, #tpu.memory_space<semaphore_mem>>) {add = true}
      %mul3A_40 = arith.constant 10 : i32
      %mul3A_41 = arith.muli %scan3A_28, %mul3A_40 : i32
      %add3A_42 = arith.constant 1 : i32
      %add3A_43 = arith.addi %mul3A_41, %add3A_42 : i32
      %dma_start3A_44 = arith.constant 0 : i32
      %dma_start3A_45 = tpu.memref_slice %arg5[%dma_start3A_44] : memref<48xf32, #tpu.memory_space<vmem>> -> memref<40xf32, #tpu.memory_space<vmem>>
      %dma_start3A_46 = arith.constant 0 : i32
      %dma_start3A_47 = tpu.memref_slice %arg4[%add3A_43, %dma_start3A_46] : memref<250x40xi32, #tpu.memory_space<vmem>> -> memref<1x40xi32, #tpu.memory_space<vmem>>
      %dma_start3A_48 = tpu.memref_squeeze %dma_start3A_47 : memref<1x40xi32, #tpu.memory_space<vmem>> -> memref<40xi32, #tpu.memory_space<vmem>>
      %dma_start3A_49 = arith.constant 0 : i32
      %dma_start3A_50 = tpu.memref_slice %arg7[%dma_start3A_49] : memref<10240xf32, #tpu.memory_space<vmem_shared>> -> memref<10240xf32, #tpu.memory_space<vmem_shared>>
      tpu.enqueue_indirect_dma source(%dma_start3A_45 : memref<40xf32, #tpu.memory_space<vmem>>) target(%dma_start3A_50 : memref<10240xf32, #tpu.memory_space<vmem_shared>>) offsets(%dma_start3A_48 : memref<40xi32, #tpu.memory_space<vmem>>) semaphore(%arg8 : memref<!tpu.dma_semaphore, #tpu.memory_space<semaphore_mem>>) {add = true}
      %mul3A_51 = arith.constant 10 : i32
      %mul3A_52 = arith.muli %scan3A_28, %mul3A_51 : i32
      %add3A_53 = arith.constant 2 : i32
      %add3A_54 = arith.addi %mul3A_52, %add3A_53 : i32
      %dma_start3A_55 = arith.constant 0 : i32
      %dma_start3A_56 = tpu.memref_slice %arg5[%dma_start3A_55] : memref<48xf32, #tpu.memory_space<vmem>> -> memref<40xf32, #tpu.memory_space<vmem>>
      %dma_start3A_57 = arith.constant 0 : i32
      %dma_start3A_58 = tpu.memref_slice %arg4[%add3A_54, %dma_start3A_57] : memref<250x40xi32, #tpu.memory_space<vmem>> -> memref<1x40xi32, #tpu.memory_space<vmem>>
      %dma_start3A_59 = tpu.memref_squeeze %dma_start3A_58 : memref<1x40xi32, #tpu.memory_space<vmem>> -> memref<40xi32, #tpu.memory_space<vmem>>
      %dma_start3A_60 = arith.constant 0 : i32
      %dma_start3A_61 = tpu.memref_slice %arg7[%dma_start3A_60] : memref<10240xf32, #tpu.memory_space<vmem_shared>> -> memref<10240xf32, #tpu.memory_space<vmem_shared>>
      tpu.enqueue_indirect_dma source(%dma_start3A_56 : memref<40xf32, #tpu.memory_space<vmem>>) target(%dma_start3A_61 : memref<10240xf32, #tpu.memory_space<vmem_shared>>) offsets(%dma_start3A_59 : memref<40xi32, #tpu.memory_space<vmem>>) semaphore(%arg8 : memref<!tpu.dma_semaphore, #tpu.memory_space<semaphore_mem>>) {add = true}
      %mul3A_62 = arith.constant 10 : i32
      %mul3A_63 = arith.muli %scan3A_28, %mul3A_62 : i32
      %add3A_64 = arith.constant 3 : i32
      %add3A_65 = arith.addi %mul3A_63, %add3A_64 : i32
      %dma_start3A_66 = arith.constant 0 : i32
      %dma_start3A_67 = tpu.memref_slice %arg5[%dma_start3A_66] : memref<48xf32, #tpu.memory_space<vmem>> -> memref<40xf32, #tpu.memory_space<vmem>>
      %dma_start3A_68 = arith.constant 0 : i32
      %dma_start3A_69 = tpu.memref_slice %arg4[%add3A_65, %dma_start3A_68] : memref<250x40xi32, #tpu.memory_space<vmem>> -> memref<1x40xi32, #tpu.memory_space<vmem>>
      %dma_start3A_70 = tpu.memref_squeeze %dma_start3A_69 : memref<1x40xi32, #tpu.memory_space<vmem>> -> memref<40xi32, #tpu.memory_space<vmem>>
      %dma_start3A_71 = arith.constant 0 : i32
      %dma_start3A_72 = tpu.memref_slice %arg7[%dma_start3A_71] : memref<10240xf32, #tpu.memory_space<vmem_shared>> -> memref<10240xf32, #tpu.memory_space<vmem_shared>>
      tpu.enqueue_indirect_dma source(%dma_start3A_67 : memref<40xf32, #tpu.memory_space<vmem>>) target(%dma_start3A_72 : memref<10240xf32, #tpu.memory_space<vmem_shared>>) offsets(%dma_start3A_70 : memref<40xi32, #tpu.memory_space<vmem>>) semaphore(%arg8 : memref<!tpu.dma_semaphore, #tpu.memory_space<semaphore_mem>>) {add = true}
      %mul3A_73 = arith.constant 10 : i32
      %mul3A_74 = arith.muli %scan3A_28, %mul3A_73 : i32
      %add3A_75 = arith.constant 4 : i32
      %add3A_76 = arith.addi %mul3A_74, %add3A_75 : i32
      %dma_start3A_77 = arith.constant 0 : i32
      %dma_start3A_78 = tpu.memref_slice %arg5[%dma_start3A_77] : memref<48xf32, #tpu.memory_space<vmem>> -> memref<40xf32, #tpu.memory_space<vmem>>
      %dma_start3A_79 = arith.constant 0 : i32
      %dma_start3A_80 = tpu.memref_slice %arg4[%add3A_76, %dma_start3A_79] : memref<250x40xi32, #tpu.memory_space<vmem>> -> memref<1x40xi32, #tpu.memory_space<vmem>>
      %dma_start3A_81 = tpu.memref_squeeze %dma_start3A_80 : memref<1x40xi32, #tpu.memory_space<vmem>> -> memref<40xi32, #tpu.memory_space<vmem>>
      %dma_start3A_82 = arith.constant 0 : i32
      %dma_start3A_83 = tpu.memref_slice %arg7[%dma_start3A_82] : memref<10240xf32, #tpu.memory_space<vmem_shared>> -> memref<10240xf32, #tpu.memory_space<vmem_shared>>
      tpu.enqueue_indirect_dma source(%dma_start3A_78 : memref<40xf32, #tpu.memory_space<vmem>>) target(%dma_start3A_83 : memref<10240xf32, #tpu.memory_space<vmem_shared>>) offsets(%dma_start3A_81 : memref<40xi32, #tpu.memory_space<vmem>>) semaphore(%arg8 : memref<!tpu.dma_semaphore, #tpu.memory_space<semaphore_mem>>) {add = true}
      %mul3A_84 = arith.constant 10 : i32
      %mul3A_85 = arith.muli %scan3A_28, %mul3A_84 : i32
      %add3A_86 = arith.constant 5 : i32
      %add3A_87 = arith.addi %mul3A_85, %add3A_86 : i32
      %dma_start3A_88 = arith.constant 0 : i32
      %dma_start3A_89 = tpu.memref_slice %arg5[%dma_start3A_88] : memref<48xf32, #tpu.memory_space<vmem>> -> memref<40xf32, #tpu.memory_space<vmem>>
      %dma_start3A_90 = arith.constant 0 : i32
      %dma_start3A_91 = tpu.memref_slice %arg4[%add3A_87, %dma_start3A_90] : memref<250x40xi32, #tpu.memory_space<vmem>> -> memref<1x40xi32, #tpu.memory_space<vmem>>
      %dma_start3A_92 = tpu.memref_squeeze %dma_start3A_91 : memref<1x40xi32, #tpu.memory_space<vmem>> -> memref<40xi32, #tpu.memory_space<vmem>>
      %dma_start3A_93 = arith.constant 0 : i32
      %dma_start3A_94 = tpu.memref_slice %arg7[%dma_start3A_93] : memref<10240xf32, #tpu.memory_space<vmem_shared>> -> memref<10240xf32, #tpu.memory_space<vmem_shared>>
      tpu.enqueue_indirect_dma source(%dma_start3A_89 : memref<40xf32, #tpu.memory_space<vmem>>) target(%dma_start3A_94 : memref<10240xf32, #tpu.memory_space<vmem_shared>>) offsets(%dma_start3A_92 : memref<40xi32, #tpu.memory_space<vmem>>) semaphore(%arg8 : memref<!tpu.dma_semaphore, #tpu.memory_space<semaphore_mem>>) {add = true}
      %mul3A_95 = arith.constant 10 : i32
      %mul3A_96 = arith.muli %scan3A_28, %mul3A_95 : i32
      %add3A_97 = arith.constant 6 : i32
      %add3A_98 = arith.addi %mul3A_96, %add3A_97 : i32
      %dma_start3A_99 = arith.constant 0 : i32
      %dma_start3A_100 = tpu.memref_slice %arg5[%dma_start3A_99] : memref<48xf32, #tpu.memory_space<vmem>> -> memref<40xf32, #tpu.memory_space<vmem>>
      %dma_start3A_101 = arith.constant 0 : i32
      %dma_start3A_102 = tpu.memref_slice %arg4[%add3A_98, %dma_start3A_101] : memref<250x40xi32, #tpu.memory_space<vmem>> -> memref<1x40xi32, #tpu.memory_space<vmem>>
      %dma_start3A_103 = tpu.memref_squeeze %dma_start3A_102 : memref<1x40xi32, #tpu.memory_space<vmem>> -> memref<40xi32, #tpu.memory_space<vmem>>
      %dma_start3A_104 = arith.constant 0 : i32
      %dma_start3A_105 = tpu.memref_slice %arg7[%dma_start3A_104] : memref<10240xf32, #tpu.memory_space<vmem_shared>> -> memref<10240xf32, #tpu.memory_space<vmem_shared>>
      tpu.enqueue_indirect_dma source(%dma_start3A_100 : memref<40xf32, #tpu.memory_space<vmem>>) target(%dma_start3A_105 : memref<10240xf32, #tpu.memory_space<vmem_shared>>) offsets(%dma_start3A_103 : memref<40xi32, #tpu.memory_space<vmem>>) semaphore(%arg8 : memref<!tpu.dma_semaphore, #tpu.memory_space<semaphore_mem>>) {add = true}
      %mul3A_106 = arith.constant 10 : i32
      %mul3A_107 = arith.muli %scan3A_28, %mul3A_106 : i32
      %add3A_108 = arith.constant 7 : i32
      %add3A_109 = arith.addi %mul3A_107, %add3A_108 : i32
      %dma_start3A_110 = arith.constant 0 : i32
      %dma_start3A_111 = tpu.memref_slice %arg5[%dma_start3A_110] : memref<48xf32, #tpu.memory_space<vmem>> -> memref<40xf32, #tpu.memory_space<vmem>>
      %dma_start3A_112 = arith.constant 0 : i32
      %dma_start3A_113 = tpu.memref_slice %arg4[%add3A_109, %dma_start3A_112] : memref<250x40xi32, #tpu.memory_space<vmem>> -> memref<1x40xi32, #tpu.memory_space<vmem>>
      %dma_start3A_114 = tpu.memref_squeeze %dma_start3A_113 : memref<1x40xi32, #tpu.memory_space<vmem>> -> memref<40xi32, #tpu.memory_space<vmem>>
      %dma_start3A_115 = arith.constant 0 : i32
      %dma_start3A_116 = tpu.memref_slice %arg7[%dma_start3A_115] : memref<10240xf32, #tpu.memory_space<vmem_shared>> -> memref<10240xf32, #tpu.memory_space<vmem_shared>>
      tpu.enqueue_indirect_dma source(%dma_start3A_111 : memref<40xf32, #tpu.memory_space<vmem>>) target(%dma_start3A_116 : memref<10240xf32, #tpu.memory_space<vmem_shared>>) offsets(%dma_start3A_114 : memref<40xi32, #tpu.memory_space<vmem>>) semaphore(%arg8 : memref<!tpu.dma_semaphore, #tpu.memory_space<semaphore_mem>>) {add = true}
      %mul3A_117 = arith.constant 10 : i32
      %mul3A_118 = arith.muli %scan3A_28, %mul3A_117 : i32
      %add3A_119 = arith.constant 8 : i32
      %add3A_120 = arith.addi %mul3A_118, %add3A_119 : i32
      %dma_start3A_121 = arith.constant 0 : i32
      %dma_start3A_122 = tpu.memref_slice %arg5[%dma_start3A_121] : memref<48xf32, #tpu.memory_space<vmem>> -> memref<40xf32, #tpu.memory_space<vmem>>
      %dma_start3A_123 = arith.constant 0 : i32
      %dma_start3A_124 = tpu.memref_slice %arg4[%add3A_120, %dma_start3A_123] : memref<250x40xi32, #tpu.memory_space<vmem>> -> memref<1x40xi32, #tpu.memory_space<vmem>>
      %dma_start3A_125 = tpu.memref_squeeze %dma_start3A_124 : memref<1x40xi32, #tpu.memory_space<vmem>> -> memref<40xi32, #tpu.memory_space<vmem>>
      %dma_start3A_126 = arith.constant 0 : i32
      %dma_start3A_127 = tpu.memref_slice %arg7[%dma_start3A_126] : memref<10240xf32, #tpu.memory_space<vmem_shared>> -> memref<10240xf32, #tpu.memory_space<vmem_shared>>
      tpu.enqueue_indirect_dma source(%dma_start3A_122 : memref<40xf32, #tpu.memory_space<vmem>>) target(%dma_start3A_127 : memref<10240xf32, #tpu.memory_space<vmem_shared>>) offsets(%dma_start3A_125 : memref<40xi32, #tpu.memory_space<vmem>>) semaphore(%arg8 : memref<!tpu.dma_semaphore, #tpu.memory_space<semaphore_mem>>) {add = true}
      %mul3A_128 = arith.constant 10 : i32
      %mul3A_129 = arith.muli %scan3A_28, %mul3A_128 : i32
      %add3A_130 = arith.constant 9 : i32
      %add3A_131 = arith.addi %mul3A_129, %add3A_130 : i32
      %dma_start3A_132 = arith.constant 0 : i32
      %dma_start3A_133 = tpu.memref_slice %arg5[%dma_start3A_132] : memref<48xf32, #tpu.memory_space<vmem>> -> memref<40xf32, #tpu.memory_space<vmem>>
      %dma_start3A_134 = arith.constant 0 : i32
      %dma_start3A_135 = tpu.memref_slice %arg4[%add3A_131, %dma_start3A_134] : memref<250x40xi32, #tpu.memory_space<vmem>> -> memref<1x40xi32, #tpu.memory_space<vmem>>
      %dma_start3A_136 = tpu.memref_squeeze %dma_start3A_135 : memref<1x40xi32, #tpu.memory_space<vmem>> -> memref<40xi32, #tpu.memory_space<vmem>>
      %dma_start3A_137 = arith.constant 0 : i32
      %dma_start3A_138 = tpu.memref_slice %arg7[%dma_start3A_137] : memref<10240xf32, #tpu.memory_space<vmem_shared>> -> memref<10240xf32, #tpu.memory_space<vmem_shared>>
      tpu.enqueue_indirect_dma source(%dma_start3A_133 : memref<40xf32, #tpu.memory_space<vmem>>) target(%dma_start3A_138 : memref<10240xf32, #tpu.memory_space<vmem_shared>>) offsets(%dma_start3A_136 : memref<40xi32, #tpu.memory_space<vmem>>) semaphore(%arg8 : memref<!tpu.dma_semaphore, #tpu.memory_space<semaphore_mem>>) {add = true}
      %mul3A_139 = arith.constant 10 : i32
      %mul3A_140 = arith.muli %scan3A_28, %mul3A_139 : i32
      %add3A_141 = arith.constant 0 : i32
      %add3A_142 = arith.addi %mul3A_140, %add3A_141 : i32
      %dma_wait3A = arith.constant 0 : i32
      %dma_wait3A_143 = tpu.memref_slice %arg5[%dma_wait3A] : memref<48xf32, #tpu.memory_space<vmem>> -> memref<40xf32, #tpu.memory_space<vmem>>
      %dma_wait3A_144 = arith.constant 0 : i32
      %dma_wait3A_145 = tpu.memref_slice %arg4[%add3A_142, %dma_wait3A_144] : memref<250x40xi32, #tpu.memory_space<vmem>> -> memref<1x40xi32, #tpu.memory_space<vmem>>
      %dma_wait3A_146 = tpu.memref_squeeze %dma_wait3A_145 : memref<1x40xi32, #tpu.memory_space<vmem>> -> memref<40xi32, #tpu.memory_space<vmem>>
      %dma_wait3A_147 = arith.constant 0 : i32
      %dma_wait3A_148 = tpu.memref_slice %arg7[%dma_wait3A_147] : memref<10240xf32, #tpu.memory_space<vmem_shared>> -> memref<10240xf32, #tpu.memory_space<vmem_shared>>
      tpu.wait_indirect_dma semaphore(%arg8 : memref<!tpu.dma_semaphore, #tpu.memory_space<semaphore_mem>>) src(%dma_wait3A_143 : memref<40xf32, #tpu.memory_space<vmem>>) dst(%dma_wait3A_148 : memref<10240xf32, #tpu.memory_space<vmem_shared>>)
      %mul3A_149 = arith.constant 10 : i32
      %mul3A_150 = arith.muli %scan3A_28, %mul3A_149 : i32
      %add3A_151 = arith.constant 1 : i32
      %add3A_152 = arith.addi %mul3A_150, %add3A_151 : i32
      %dma_wait3A_153 = arith.constant 0 : i32
      %dma_wait3A_154 = tpu.memref_slice %arg5[%dma_wait3A_153] : memref<48xf32, #tpu.memory_space<vmem>> -> memref<40xf32, #tpu.memory_space<vmem>>
      %dma_wait3A_155 = arith.constant 0 : i32
      %dma_wait3A_156 = tpu.memref_slice %arg4[%add3A_152, %dma_wait3A_155] : memref<250x40xi32, #tpu.memory_space<vmem>> -> memref<1x40xi32, #tpu.memory_space<vmem>>
      %dma_wait3A_157 = tpu.memref_squeeze %dma_wait3A_156 : memref<1x40xi32, #tpu.memory_space<vmem>> -> memref<40xi32, #tpu.memory_space<vmem>>
      %dma_wait3A_158 = arith.constant 0 : i32
      %dma_wait3A_159 = tpu.memref_slice %arg7[%dma_wait3A_158] : memref<10240xf32, #tpu.memory_space<vmem_shared>> -> memref<10240xf32, #tpu.memory_space<vmem_shared>>
      tpu.wait_indirect_dma semaphore(%arg8 : memref<!tpu.dma_semaphore, #tpu.memory_space<semaphore_mem>>) src(%dma_wait3A_154 : memref<40xf32, #tpu.memory_space<vmem>>) dst(%dma_wait3A_159 : memref<10240xf32, #tpu.memory_space<vmem_shared>>)
      %mul3A_160 = arith.constant 10 : i32
      %mul3A_161 = arith.muli %scan3A_28, %mul3A_160 : i32
      %add3A_162 = arith.constant 2 : i32
      %add3A_163 = arith.addi %mul3A_161, %add3A_162 : i32
      %dma_wait3A_164 = arith.constant 0 : i32
      %dma_wait3A_165 = tpu.memref_slice %arg5[%dma_wait3A_164] : memref<48xf32, #tpu.memory_space<vmem>> -> memref<40xf32, #tpu.memory_space<vmem>>
      %dma_wait3A_166 = arith.constant 0 : i32
      %dma_wait3A_167 = tpu.memref_slice %arg4[%add3A_163, %dma_wait3A_166] : memref<250x40xi32, #tpu.memory_space<vmem>> -> memref<1x40xi32, #tpu.memory_space<vmem>>
      %dma_wait3A_168 = tpu.memref_squeeze %dma_wait3A_167 : memref<1x40xi32, #tpu.memory_space<vmem>> -> memref<40xi32, #tpu.memory_space<vmem>>
      %dma_wait3A_169 = arith.constant 0 : i32
      %dma_wait3A_170 = tpu.memref_slice %arg7[%dma_wait3A_169] : memref<10240xf32, #tpu.memory_space<vmem_shared>> -> memref<10240xf32, #tpu.memory_space<vmem_shared>>
      tpu.wait_indirect_dma semaphore(%arg8 : memref<!tpu.dma_semaphore, #tpu.memory_space<semaphore_mem>>) src(%dma_wait3A_165 : memref<40xf32, #tpu.memory_space<vmem>>) dst(%dma_wait3A_170 : memref<10240xf32, #tpu.memory_space<vmem_shared>>)
      %mul3A_171 = arith.constant 10 : i32
      %mul3A_172 = arith.muli %scan3A_28, %mul3A_171 : i32
      %add3A_173 = arith.constant 3 : i32
      %add3A_174 = arith.addi %mul3A_172, %add3A_173 : i32
      %dma_wait3A_175 = arith.constant 0 : i32
      %dma_wait3A_176 = tpu.memref_slice %arg5[%dma_wait3A_175] : memref<48xf32, #tpu.memory_space<vmem>> -> memref<40xf32, #tpu.memory_space<vmem>>
      %dma_wait3A_177 = arith.constant 0 : i32
      %dma_wait3A_178 = tpu.memref_slice %arg4[%add3A_174, %dma_wait3A_177] : memref<250x40xi32, #tpu.memory_space<vmem>> -> memref<1x40xi32, #tpu.memory_space<vmem>>
      %dma_wait3A_179 = tpu.memref_squeeze %dma_wait3A_178 : memref<1x40xi32, #tpu.memory_space<vmem>> -> memref<40xi32, #tpu.memory_space<vmem>>
      %dma_wait3A_180 = arith.constant 0 : i32
      %dma_wait3A_181 = tpu.memref_slice %arg7[%dma_wait3A_180] : memref<10240xf32, #tpu.memory_space<vmem_shared>> -> memref<10240xf32, #tpu.memory_space<vmem_shared>>
      tpu.wait_indirect_dma semaphore(%arg8 : memref<!tpu.dma_semaphore, #tpu.memory_space<semaphore_mem>>) src(%dma_wait3A_176 : memref<40xf32, #tpu.memory_space<vmem>>) dst(%dma_wait3A_181 : memref<10240xf32, #tpu.memory_space<vmem_shared>>)
      %mul3A_182 = arith.constant 10 : i32
      %mul3A_183 = arith.muli %scan3A_28, %mul3A_182 : i32
      %add3A_184 = arith.constant 4 : i32
      %add3A_185 = arith.addi %mul3A_183, %add3A_184 : i32
      %dma_wait3A_186 = arith.constant 0 : i32
      %dma_wait3A_187 = tpu.memref_slice %arg5[%dma_wait3A_186] : memref<48xf32, #tpu.memory_space<vmem>> -> memref<40xf32, #tpu.memory_space<vmem>>
      %dma_wait3A_188 = arith.constant 0 : i32
      %dma_wait3A_189 = tpu.memref_slice %arg4[%add3A_185, %dma_wait3A_188] : memref<250x40xi32, #tpu.memory_space<vmem>> -> memref<1x40xi32, #tpu.memory_space<vmem>>
      %dma_wait3A_190 = tpu.memref_squeeze %dma_wait3A_189 : memref<1x40xi32, #tpu.memory_space<vmem>> -> memref<40xi32, #tpu.memory_space<vmem>>
      %dma_wait3A_191 = arith.constant 0 : i32
      %dma_wait3A_192 = tpu.memref_slice %arg7[%dma_wait3A_191] : memref<10240xf32, #tpu.memory_space<vmem_shared>> -> memref<10240xf32, #tpu.memory_space<vmem_shared>>
      tpu.wait_indirect_dma semaphore(%arg8 : memref<!tpu.dma_semaphore, #tpu.memory_space<semaphore_mem>>) src(%dma_wait3A_187 : memref<40xf32, #tpu.memory_space<vmem>>) dst(%dma_wait3A_192 : memref<10240xf32, #tpu.memory_space<vmem_shared>>)
      %mul3A_193 = arith.constant 10 : i32
      %mul3A_194 = arith.muli %scan3A_28, %mul3A_193 : i32
      %add3A_195 = arith.constant 5 : i32
      %add3A_196 = arith.addi %mul3A_194, %add3A_195 : i32
      %dma_wait3A_197 = arith.constant 0 : i32
      %dma_wait3A_198 = tpu.memref_slice %arg5[%dma_wait3A_197] : memref<48xf32, #tpu.memory_space<vmem>> -> memref<40xf32, #tpu.memory_space<vmem>>
      %dma_wait3A_199 = arith.constant 0 : i32
      %dma_wait3A_200 = tpu.memref_slice %arg4[%add3A_196, %dma_wait3A_199] : memref<250x40xi32, #tpu.memory_space<vmem>> -> memref<1x40xi32, #tpu.memory_space<vmem>>
      %dma_wait3A_201 = tpu.memref_squeeze %dma_wait3A_200 : memref<1x40xi32, #tpu.memory_space<vmem>> -> memref<40xi32, #tpu.memory_space<vmem>>
      %dma_wait3A_202 = arith.constant 0 : i32
      %dma_wait3A_203 = tpu.memref_slice %arg7[%dma_wait3A_202] : memref<10240xf32, #tpu.memory_space<vmem_shared>> -> memref<10240xf32, #tpu.memory_space<vmem_shared>>
      tpu.wait_indirect_dma semaphore(%arg8 : memref<!tpu.dma_semaphore, #tpu.memory_space<semaphore_mem>>) src(%dma_wait3A_198 : memref<40xf32, #tpu.memory_space<vmem>>) dst(%dma_wait3A_203 : memref<10240xf32, #tpu.memory_space<vmem_shared>>)
      %mul3A_204 = arith.constant 10 : i32
      %mul3A_205 = arith.muli %scan3A_28, %mul3A_204 : i32
      %add3A_206 = arith.constant 6 : i32
      %add3A_207 = arith.addi %mul3A_205, %add3A_206 : i32
      %dma_wait3A_208 = arith.constant 0 : i32
      %dma_wait3A_209 = tpu.memref_slice %arg5[%dma_wait3A_208] : memref<48xf32, #tpu.memory_space<vmem>> -> memref<40xf32, #tpu.memory_space<vmem>>
      %dma_wait3A_210 = arith.constant 0 : i32
      %dma_wait3A_211 = tpu.memref_slice %arg4[%add3A_207, %dma_wait3A_210] : memref<250x40xi32, #tpu.memory_space<vmem>> -> memref<1x40xi32, #tpu.memory_space<vmem>>
      %dma_wait3A_212 = tpu.memref_squeeze %dma_wait3A_211 : memref<1x40xi32, #tpu.memory_space<vmem>> -> memref<40xi32, #tpu.memory_space<vmem>>
      %dma_wait3A_213 = arith.constant 0 : i32
      %dma_wait3A_214 = tpu.memref_slice %arg7[%dma_wait3A_213] : memref<10240xf32, #tpu.memory_space<vmem_shared>> -> memref<10240xf32, #tpu.memory_space<vmem_shared>>
      tpu.wait_indirect_dma semaphore(%arg8 : memref<!tpu.dma_semaphore, #tpu.memory_space<semaphore_mem>>) src(%dma_wait3A_209 : memref<40xf32, #tpu.memory_space<vmem>>) dst(%dma_wait3A_214 : memref<10240xf32, #tpu.memory_space<vmem_shared>>)
      %mul3A_215 = arith.constant 10 : i32
      %mul3A_216 = arith.muli %scan3A_28, %mul3A_215 : i32
      %add3A_217 = arith.constant 7 : i32
      %add3A_218 = arith.addi %mul3A_216, %add3A_217 : i32
      %dma_wait3A_219 = arith.constant 0 : i32
      %dma_wait3A_220 = tpu.memref_slice %arg5[%dma_wait3A_219] : memref<48xf32, #tpu.memory_space<vmem>> -> memref<40xf32, #tpu.memory_space<vmem>>
      %dma_wait3A_221 = arith.constant 0 : i32
      %dma_wait3A_222 = tpu.memref_slice %arg4[%add3A_218, %dma_wait3A_221] : memref<250x40xi32, #tpu.memory_space<vmem>> -> memref<1x40xi32, #tpu.memory_space<vmem>>
      %dma_wait3A_223 = tpu.memref_squeeze %dma_wait3A_222 : memref<1x40xi32, #tpu.memory_space<vmem>> -> memref<40xi32, #tpu.memory_space<vmem>>
      %dma_wait3A_224 = arith.constant 0 : i32
      %dma_wait3A_225 = tpu.memref_slice %arg7[%dma_wait3A_224] : memref<10240xf32, #tpu.memory_space<vmem_shared>> -> memref<10240xf32, #tpu.memory_space<vmem_shared>>
      tpu.wait_indirect_dma semaphore(%arg8 : memref<!tpu.dma_semaphore, #tpu.memory_space<semaphore_mem>>) src(%dma_wait3A_220 : memref<40xf32, #tpu.memory_space<vmem>>) dst(%dma_wait3A_225 : memref<10240xf32, #tpu.memory_space<vmem_shared>>)
      %mul3A_226 = arith.constant 10 : i32
      %mul3A_227 = arith.muli %scan3A_28, %mul3A_226 : i32
      %add3A_228 = arith.constant 8 : i32
      %add3A_229 = arith.addi %mul3A_227, %add3A_228 : i32
      %dma_wait3A_230 = arith.constant 0 : i32
      %dma_wait3A_231 = tpu.memref_slice %arg5[%dma_wait3A_230] : memref<48xf32, #tpu.memory_space<vmem>> -> memref<40xf32, #tpu.memory_space<vmem>>
      %dma_wait3A_232 = arith.constant 0 : i32
      %dma_wait3A_233 = tpu.memref_slice %arg4[%add3A_229, %dma_wait3A_232] : memref<250x40xi32, #tpu.memory_space<vmem>> -> memref<1x40xi32, #tpu.memory_space<vmem>>
      %dma_wait3A_234 = tpu.memref_squeeze %dma_wait3A_233 : memref<1x40xi32, #tpu.memory_space<vmem>> -> memref<40xi32, #tpu.memory_space<vmem>>
      %dma_wait3A_235 = arith.constant 0 : i32
      %dma_wait3A_236 = tpu.memref_slice %arg7[%dma_wait3A_235] : memref<10240xf32, #tpu.memory_space<vmem_shared>> -> memref<10240xf32, #tpu.memory_space<vmem_shared>>
      tpu.wait_indirect_dma semaphore(%arg8 : memref<!tpu.dma_semaphore, #tpu.memory_space<semaphore_mem>>) src(%dma_wait3A_231 : memref<40xf32, #tpu.memory_space<vmem>>) dst(%dma_wait3A_236 : memref<10240xf32, #tpu.memory_space<vmem_shared>>)
      %mul3A_237 = arith.constant 10 : i32
      %mul3A_238 = arith.muli %scan3A_28, %mul3A_237 : i32
      %add3A_239 = arith.constant 9 : i32
      %add3A_240 = arith.addi %mul3A_238, %add3A_239 : i32
      %dma_wait3A_241 = arith.constant 0 : i32
      %dma_wait3A_242 = tpu.memref_slice %arg5[%dma_wait3A_241] : memref<48xf32, #tpu.memory_space<vmem>> -> memref<40xf32, #tpu.memory_space<vmem>>
      %dma_wait3A_243 = arith.constant 0 : i32
      %dma_wait3A_244 = tpu.memref_slice %arg4[%add3A_240, %dma_wait3A_243] : memref<250x40xi32, #tpu.memory_space<vmem>> -> memref<1x40xi32, #tpu.memory_space<vmem>>
      %dma_wait3A_245 = tpu.memref_squeeze %dma_wait3A_244 : memref<1x40xi32, #tpu.memory_space<vmem>> -> memref<40xi32, #tpu.memory_space<vmem>>
      %dma_wait3A_246 = arith.constant 0 : i32
      %dma_wait3A_247 = tpu.memref_slice %arg7[%dma_wait3A_246] : memref<10240xf32, #tpu.memory_space<vmem_shared>> -> memref<10240xf32, #tpu.memory_space<vmem_shared>>
      tpu.wait_indirect_dma semaphore(%arg8 : memref<!tpu.dma_semaphore, #tpu.memory_space<semaphore_mem>>) src(%dma_wait3A_242 : memref<40xf32, #tpu.memory_space<vmem>>) dst(%dma_wait3A_247 : memref<10240xf32, #tpu.memory_space<vmem_shared>>)
      %scan3A_248 = arith.constant 0 : i32
      scf.yield %scan3A_248 : i32
    }
    %scan3A_22 = arith.constant 25 : i32
    %barrier3A_23 = arith.constant 0 : index
    tpu.barrier barrier_id(%barrier3A_23)
    %mul3A_24 = arith.constant 640 : i32
    %mul3A_25 = arith.muli %arg1, %mul3A_24 : i32
    %mul3A_26 = arith.constant 640 : i32
    %mul3A_27 = arith.muli %arg1, %mul3A_26 : i32
    %run_scoped3A = arith.constant 0 : i32
    "tpu.region"() ({
      %run_scoped3A_28 = tpu.sem_alloc : memref<!tpu.dma_semaphore, #tpu.memory_space<semaphore_mem>>
      %dma_start3A = tpu.memref_slice %arg3[%arg0, %run_scoped3A, %mul3A_27] : memref<2x1x10240xf32, #tpu.memory_space<hbm>> -> memref<1x1x640xf32, #tpu.memory_space<hbm>>
      %dma_start3A_29 = tpu.memref_squeeze %dma_start3A : memref<1x1x640xf32, #tpu.memory_space<hbm>> -> memref<640xf32, #tpu.memory_space<hbm>>
      %dma_start3A_30 = tpu.memref_slice %arg7[%mul3A_25] : memref<10240xf32, #tpu.memory_space<vmem_shared>> -> memref<640xf32, #tpu.memory_space<vmem_shared>>
      tpu.enqueue_dma source(%dma_start3A_30 : memref<640xf32, #tpu.memory_space<vmem_shared>>) target(%dma_start3A_29 : memref<640xf32, #tpu.memory_space<hbm>>) target_semaphore(%run_scoped3A_28 : memref<!tpu.dma_semaphore, #tpu.memory_space<semaphore_mem>>)
      %dma_wait3A = tpu.memref_slice %arg3[%arg0, %run_scoped3A, %mul3A_27] : memref<2x1x10240xf32, #tpu.memory_space<hbm>> -> memref<1x1x640xf32, #tpu.memory_space<hbm>>
      %dma_wait3A_31 = tpu.memref_squeeze %dma_wait3A : memref<1x1x640xf32, #tpu.memory_space<hbm>> -> memref<640xf32, #tpu.memory_space<hbm>>
      %dma_wait3A_32 = tpu.memref_slice %arg7[%mul3A_25] : memref<10240xf32, #tpu.memory_space<vmem_shared>> -> memref<640xf32, #tpu.memory_space<vmem_shared>>
      tpu.wait_dma2 semaphore(%run_scoped3A_28 : memref<!tpu.dma_semaphore, #tpu.memory_space<semaphore_mem>>) src(%dma_wait3A_32 : memref<640xf32, #tpu.memory_space<vmem_shared>>) dst(%dma_wait3A_31 : memref<640xf32, #tpu.memory_space<hbm>>)
      tpu.yield
    }) : () -> ()
    return
  }
}

</mosaic_0001>

<sc_bundles>
// kernel: _deg_call.3.cloned.1.call-start
scs
__scs_entry_jumppad:
0x0: {  	(pc) =	sbr.rel $0x88, $3  }
0x1: {  	(tag) =	ssettag $0x0;
	lr =	simm.s32 $0x1  }
0x2: {  	[smem:$0x3FA0] =	sst lr;
	_ =	strace $0xD0000000  }
0x3: {  	_ = 	snop  }
0x4: {  	_ = 	snop  }
0x5: {  	_ = 	snop  }
0x6: {  	_ = 	snop  }
0x7: {  	_ = 	snop  }
__scs_overlays_trampoline_lowered:
0x8: {  	[smem:$0x3FAF] =	sst s0  }
0x9: {  	[smem:$0x3FB0] =	sst s1  }
0xa: {  	[smem:$0x3FB1] =	sst s2  }
0xb: {  	[smem:$0x3FB2] =	sst s3  }
0xc: {  	[smem:$0x3FB3] =	sst s4  }
0xd: {  	[smem:$0x3FB4] =	sst s5  }
0xe: {  	[smem:$0x3FB5] =	sst s6  }
0xf: {  	[smem:$0x3FB6] =	sst s7  }
0x10: {  	[smem:$0x3FB7] =	sst s8  }
0x11: {  	[smem:$0x3FB8] =	sst s9;
	s0 =	simm.s32 @!p0 $0x0  }
0x12: {  	s1 =	sld [smem:$0x3F9E];
	s0 =	simm.s32 @p0 $0x1  }
0x13: {  	[smem:$0x3FB9] =	sst s0;
	s0 =	simm.s32 @!p1 $0x0  }
0x14: {  	s2 =	sld [smem:$0x3F9D];
	s0 =	simm.s32 @p1 $0x1  }
0x15: {  	[smem:$0x3FBA] =	sst s0;
	s0 =	simm.s32 @!p2 $0x0  }
0x16: {  	s3 =	sld [smem:$0x3FDB];
	s0 =	simm.s32 @p2 $0x1  }
0x17: {  	s4 =	simm.s32 $0x1BF5;
	[smem:$0x3FBC] =	sst s0  }
0x18: {  	s0 =	sld [smem:$0x3F9F];
	_ =	swait.ge [sflag:s4], $0x0  }
0x19: {  	s7 =	sld [smem:$0x3FA0]  }
0x1a: {  	s8 =	sadd.s32 $0xFFFFE003, lr  }
0x1b: {  	s9 =	sadd.s32 $0xFFFFFEF7, lr;
	s5 =	simm.s32 $0xFFFFFFFF;
	p2 =	slt.u32 s8, $0xFFFFF086  }
0x1c: {  	p1 =	slt.u32 s9, $0xF7A;
	s5 =	simm.s32 @!p2 $0x0  }
0x1d: {  	s5 =	simm.s32 @p1 $0x1;
	p0 =	seq.s32 s7, s2  }
0x1e: {  	s7 =	smul.u32 @!p0 $0xF7A, s2;
	p2 =	seq.s32 @!p0 s5, $0x0  }
0x1f: {  	s9 =	smul.u32 $0xF7A, s1;
	s8 =	simm.s32 @!p0 $0x1BF5;
	p2 =	por !p2, p0  }
0x20: {  	[sflag:s8] =	ssyncset.s32 @!p0 $0xFFFFF086;
	s6 =	sadd.s32 @!p0 s3, s7;
	s7 =	simm.s32 @!p0 $0x108  }
0x21: {  	s3 =	sadd.s32 s3, s9;
	s6 =	sadd.s32 @!p0 $0x88, s6;
	s7 =	simm.s32 @p2 $0x1082  }
0x22: {  	[simem:s7], [sflag:s8] =	dma.local @!p0 [hbm:s6], $0xF7A  }
0x23: {  	s9 =	sor.u32 $0xD0000000, s2;
	s6 =	simm.s32 $0x108;
	_ =	swait.ge @!p0 [sflag:s8], $0x0  }
0x24: {  	s3 =	sadd.s32 $0x88, s3;
	s6 =	simm.s32 @!p1 $0x1082;
	[sflag:s4] =	ssyncset.s32 $0xFFFFF086  }
0x25: {  	[simem:s6], [sflag:s4] =	dma.local [hbm:s3], $0xF7A  }
0x26: {  	[smem:$0x3FA0] =	sst s1;
	(tag) =	ssettag s2;
	_ =	strace s9  }
0x27: {  	s1 =	sld [smem:$0x3FB0]  }
0x28: {  	s2 =	sld [smem:$0x3FB1]  }
0x29: {  	s4 =	sld [smem:$0x3FB3]  }
0x2a: {  	p0 =	seq.s32 s5, $0x0;
	s5 =	sld [smem:$0x3FB4]  }
0x2b: {  	s6 =	sld [smem:$0x3FB5]  }
0x2c: {  	s7 =	sld [smem:$0x3FB6]  }
0x2d: {  	s3 =	simm.s32 $0x108;
	s8 =	sld [smem:$0x3FB7]  }
0x2e: {  	s3 =	simm.s32 @!p0 $0x1082;
	s9 =	sld [smem:$0x3FB8]  }
0x2f: {  	lr =	sadd.s32 s0, s3;
	s0 =	sld [smem:$0x3FAF]  }
0x30: {  	s3 =	sld [smem:$0x3FB2]  }
0x31: {  	[smem:$0x3FBB] =	sst s10  }
0x32: {  	s10 =	sld [smem:$0x3FB9];
	_ =	sdelay $0x3  }
0x33: {  	p0 =	seq.s32 s10, $0x1;
	s10 =	sld [smem:$0x3FBB];
	_ =	sdelay $0x3  }
0x34: {  	[smem:$0x3FBB] =	sst s10  }
0x35: {  	s10 =	sld [smem:$0x3FBA];
	_ =	sdelay $0x3  }
0x36: {  	p1 =	seq.s32 s10, $0x1;
	s10 =	sld [smem:$0x3FBB];
	_ =	sdelay $0x3  }
0x37: {  	[smem:$0x3FBB] =	sst s10  }
0x38: {  	s10 =	sld [smem:$0x3FBC]  }
0x39: {  	_ = 	snop;
	(pc) =	sbr.ind lr, $3  }
0x3a: {  	_ = 	snop  }
0x3b: {  	_ = 	snop  }
0x3c: {  	p2 =	seq.s32 s10, $0x1;
	s10 =	sld [smem:$0x3FBB]  }
0x3d: {  	_ =	shalt  }
0x3e: {  	_ =	shalt  }
0x3f: {  	_ =	shalt  }
0x40: {  	_ =	shalt  }
0x41: {  	_ =	shalt  }
0x42: {  	_ =	shalt  }
0x43: {  	_ =	shalt  }
0x44: {  	_ =	shalt  }
0x45: {  	_ =	shalt  }
0x46: {  	_ =	shalt  }
0x47: {  	_ =	shalt  }
0x48: {  	_ =	shalt  }
0x49: {  	_ =	shalt  }
0x4a: {  	_ =	shalt  }
0x4b: {  	_ =	shalt  }
0x4c: {  	_ =	shalt  }
0x4d: {  	_ =	shalt  }
0x4e: {  	_ =	shalt  }
0x4f: {  	_ =	shalt  }
0x50: {  	_ =	shalt  }
0x51: {  	_ =	shalt  }
0x52: {  	_ =	shalt  }
0x53: {  	_ =	shalt  }
0x54: {  	_ =	shalt  }
0x55: {  	_ =	shalt  }
0x56: {  	_ =	shalt  }
0x57: {  	_ =	shalt  }
0x58: {  	_ =	shalt  }
0x59: {  	_ =	shalt  }
0x5a: {  	_ =	shalt  }
0x5b: {  	_ =	shalt  }
0x5c: {  	_ =	shalt  }
0x5d: {  	_ =	shalt  }
0x5e: {  	_ =	shalt  }
0x5f: {  	_ =	shalt  }
0x60: {  	_ =	shalt  }
0x61: {  	_ =	shalt  }
0x62: {  	_ =	shalt  }
0x63: {  	_ =	shalt  }
0x64: {  	_ =	shalt  }
0x65: {  	_ =	shalt  }
0x66: {  	_ =	shalt  }
0x67: {  	_ =	shalt  }
0x68: {  	_ =	shalt  }
0x69: {  	_ =	shalt  }
0x6a: {  	_ =	shalt  }
0x6b: {  	_ =	shalt  }
0x6c: {  	_ =	shalt  }
0x6d: {  	_ =	shalt  }
0x6e: {  	_ =	shalt  }
0x6f: {  	_ =	shalt  }
0x70: {  	_ =	shalt  }
0x71: {  	_ =	shalt  }
0x72: {  	_ =	shalt  }
0x73: {  	_ =	shalt  }
0x74: {  	_ =	shalt  }
0x75: {  	_ =	shalt  }
0x76: {  	_ =	shalt  }
0x77: {  	_ =	shalt  }
0x78: {  	_ =	shalt  }
0x79: {  	_ =	shalt  }
0x7a: {  	_ =	shalt  }
0x7b: {  	_ =	shalt  }
0x7c: {  	_ =	shalt  }
0x7d: {  	_ =	shalt  }
0x7e: {  	_ =	shalt  }
0x7f: {  	_ =	shalt  }
0x80: {  	_ =	shalt  }
0x81: {  	_ =	shalt  }
0x82: {  	_ =	shalt  }
0x83: {  	_ =	shalt  }
0x84: {  	_ =	shalt  }
0x85: {  	_ =	shalt  }
0x86: {  	_ =	shalt  }
0x87: {  	_ =	shalt  }
.Lfunc_end0:
.L_simem_size_0:
called_computation_lowered:
.L_overlay_start_0:
0x88: {  	s2 =	sld [smem:$0x3FD9]  }
0x89: {  	s3 =	sld [smem:$0x3FFE];
	_ =	sdelay $0x1  }
0x8a: {  	s1 =	srdreg.scid  }
0x8b: {  	s0 =	sand.u32 $0x1, s1  }
0x8c: {  	s17 =	sshll.u32 s0, $0xA;
	s2 =	sadd.s32 s3, s2  }
0x8d: {  	s2 =	sadd.s32 s2, s17  }
0x8e: {  	[smem:$0x3FC7] =	sst s2  }
0x8f: {  	_ = 	snop  }
0x90: {  	s2 =	sld [smem:$0x3FD0];
	(tm) =	ssettm $0x1  }
0x91: {  	s18 =	sld [smem:$0x3FFB];
	_ =	sdelay $0x3  }
0x92: {  	_ =	strace s18  }
0x93: {  	s3 =	sld [smem:$0x3FFC];
	_ =	sdelay $0x3  }
0x94: {  	_ =	strace s3  }
0x95: {  	s3 =	sld [smem:$0x3FFD];
	_ =	sdelay $0x3  }
0x96: {  	_ =	strace s3  }
0x97: {  	_ =	strace $0x8FFFFFFF  }
0x98: {  	s19 =	sld [smem:$0x3FDB];
	_ =	sdelay $0x1  }
0x99: {  	s4 =	simm.s32 $_scs_section_size  }
0x9a: {  	s5 =	simm.s32 $_size__tile_overlayer_lowered;
	s6 =	simm.s32 $_tile_overlayer_lowered  }
0x9b: {  	s22 =	simm.s32 $0x1BFF;
	s21 =	sshll.u32 s6, $0x1;
	s3 =	sadd.s32 s4, s19  }
0x9c: {  	s7 =	simm.s32 $0x0;
	s20 =	sshll.u32 s5, $0x1;
	s5 =	sadd.s32 s21, s3  }
0x9d: {  	[timem:s7], [sflag:s22] =	dma.local [hbm:s5], s20  }
0x9e: {  	_ =	swait.ge [sflag:s22], s20  }
0x9f: {  	s4 =	ssub.s32 $0x0, s20;
	[sflag:s22] =	ssyncset.done $0x0  }
0xa0: {  	[sflag:s22] =	ssyncadd.s32 s4;
	_ =	sdelay $0x1  }
0xa1: {  	s23 =	simm.s32 $0x1B8B  }
0xa2: {  	_ =	swait.ge [sflag:s23], $0x1  }
0xa3: {  	[sflag:s23] =	ssyncset.done $0x0  }
0xa4: {  	s25 =	simm.s32 $0x1B8E;
	s24 =	sld [smem:$0x3FFE];
	[sflag:s23] =	ssyncadd.s32 $0xFFFFFFFF  }
0xa5: {  	s26 =	simm.s32 $execute0_lowered;
	[smem:$0x3FD2] =	sst s25  }
0xa6: {  	s5 =	sshll.u32 s26, $0x1;
	_ =	strace $0x80000046;
	[dreg:$0x1] =	wrdreg $0xFFFFFFFF  }
0xa7: {  	s28 =	simm.s32 $_size_execute0_lowered;
	s3 =	sadd.s32 s3, s5;
	[dreg:$0x0] =	wrdreg $0x0  }
0xa8: {  	s5 =	sshll.u32 s28, $0x1;
	[dreg:$0x2] =	wrdreg s3  }
0xa9: {  	[dreg:$0x3] =	wrdreg s5  }
0xaa: {  	[dreg:$0x4] =	wrdreg $0xC0  }
0xab: {  	_ =	task [dreg:s7], $0x5FFFF  }
0xac: {  	[dreg:$0x1] =	wrdreg $0xFFFFFFFF  }
0xad: {  	[dreg:$0x0] =	wrdreg $0x60  }
0xae: {  	[dreg:$0x2] =	wrdreg s24  }
0xaf: {  	[dreg:$0x3] =	wrdreg s2  }
0xb0: {  	[dreg:$0x4] =	wrdreg $0x83000  }
0xb1: {  	[dreg:$0x5] =	wrdreg $0x9  }
0xb2: {  	_ =	task.clear_ibuf [dreg:s7], $0x6FFFF;
	_ =	strace $0x90000046  }
0xb3: {  	s29 =	simm.s32 $0x9;
	_ =	strace $0x80000048  }
0xb4: {  	_ =	swait.ge [sflag:s29], $0x1  }
0xb5: {  	[sflag:s29] =	ssyncadd.s32 $0xFFFFFFFF  }
0xb6: {  	_ =	strace $0x90000048  }
0xb7: {  	_ =	sfence  }
0xb8: {  	s30 =	sld [smem:$0x0];
	_ =	sdelay $0x2  }
0xb9: {  	s31 =	sshll.u32 s1, $0xD;
	s1 =	sshrl.u32 s1, $0x2  }
0xba: {  	s3 =	sand.u32 $0x4000, s31;
	s1 =	sadd.s32 s1, s30  }
0xbb: {  	s0 =	sor.u32 s3, s0;
	s1 =	sshll.u32 s1, $0x11  }
0xbc: {  	s0 =	sor.u32 s1, s0  }
0xbd: {  	s0 =	sadd.s32 $0x8F2B, s0  }
0xbe: {  	[sflag:s0] =	ssyncadd.remote.s32 $0x1  }
0xbf: {  	_ =	sfence.sel $0xFFFF  }
0xc0: {  	[dreg:$0x0] =	wrdreg $0xFFFFFFFF;
	(pc) =	sbr.abs _section_cstart, $3  }
0xc1: {  	[dreg:$0x1] =	wrdreg $0xFFFFFFFF  }
0xc2: {  	_ =	task.clear_ibuf [dreg:s7], $0x2FFFF;
	_ =	strace $0x9FFFFFFF  }
0xc3: {  	(tm) =	ssettm $0x7FFFFFFF  }
tec
execute0_lowered:
.L_overlay_start_1:
0x0: {  	(tag) =	ssettag $0x1  }
0x1: {  	s4 =	rddreg [dreg:$0x0]  }
0x2: {  	s6 =	rddreg [dreg:$0x1]  }
0x3: {  	s2 =	rddreg [dreg:$0x2]  }
0x4: {  	s0 =	rddreg [dreg:$0x3]  }
0x5: {  	s3 =	simm.s32 $0x0;
	s5 =	srdreg.scid;
	s1 =	stileid.u32  }
0x6: {  	s11 =	simm.s32 $0x8000;
	s12 =	simm.s32 $0x1;
	s15 =	simm.s32 $0x0  }
0x7: {  	[smem:$0x7FF] =	sst s3;
	s5 =	sand.u32 $0x1, s5;
	s7 =	smul.u32 $0x280, s1  }
0x8: {  	s10 =	sshll.u32 s1, $0xD;
	s13 =	sshll.u32 s1, $0x6;
	s8 =	sshll.u32 s5, $0xC  }
0x9: {  	s9 =	ssub.s32 $0x2, s5;
	s5 =	smul.u32 $0x2800, s5;
	_ =	strace $0x80000047  }
0xa: {  	s13 =	sor.u32 $0x1C02, s13;
	s8 =	sadd.s32 s8, s4;
	s29 =	sshrl.u32 s9, $0x1  }
0xb: {  	s4 =	sadd.s32 s7, s2;
	s9 =	ssub.s32 s9, s29;
	s5 =	sadd.s32 s7, s5  }
0xc: {  	s30 =	sadd.s32 s10, s8;
	s8 =	simm.s32 $0x8080;
	s10 =	simm.s32 $0x28  }
0xd: {  	s14 =	sshrl.u32 s4, $0x3;
	s31 =	sshrl.u32 s5, $0x3;
	s5 =	sadd.s32 $0x400, s30  }
0xe: {  	v0 =	vimm.f32 $0.0e+00;
	v1 =	vimm.f32 $1.000000000e+00;
	s7 =	smax.u32 s9, $0x1;
	s9 =	simm.s32 $0x2;
	s6 =	sadd.s32 s6, s31  }
.LBB2_1:
0xf: {  	[tilespmem:$0x8080] =	vst v0  }
0x10: {  	[tilespmem:$0x8090] =	vst v0  }
0x11: {  	[tilespmem:$0x80A0] =	vst v0  }
0x12: {  	[tilespmem:$0x80B0] =	vst v0  }
0x13: {  	[tilespmem:$0x80C0] =	vst v0  }
0x14: {  	[tilespmem:$0x80D0] =	vst v0  }
0x15: {  	[tilespmem:$0x80E0] =	vst v0  }
0x16: {  	[tilespmem:$0x80F0] =	vst v0  }
0x17: {  	[tilespmem:$0x8100] =	vst v0  }
0x18: {  	[tilespmem:$0x8110] =	vst v0  }
0x19: {  	[tilespmem:$0x8120] =	vst v0  }
0x1a: {  	[tilespmem:$0x8130] =	vst v0  }
0x1b: {  	[tilespmem:$0x8140] =	vst v0  }
0x1c: {  	[tilespmem:$0x8150] =	vst v0  }
0x1d: {  	[tilespmem:$0x8160] =	vst v0  }
0x1e: {  	[tilespmem:$0x8170] =	vst v0  }
0x1f: {  	[tilespmem:$0x8180] =	vst v0  }
0x20: {  	[tilespmem:$0x8190] =	vst v0  }
0x21: {  	[tilespmem:$0x81A0] =	vst v0  }
0x22: {  	[tilespmem:$0x81B0] =	vst v0  }
0x23: {  	[tilespmem:$0x81C0] =	vst v0  }
0x24: {  	[tilespmem:$0x81D0] =	vst v0  }
0x25: {  	[tilespmem:$0x81E0] =	vst v0  }
0x26: {  	[tilespmem:$0x81F0] =	vst v0  }
0x27: {  	[tilespmem:$0x8200] =	vst v0  }
0x28: {  	[tilespmem:$0x8210] =	vst v0  }
0x29: {  	[tilespmem:$0x8220] =	vst v0  }
0x2a: {  	[tilespmem:$0x8230] =	vst v0  }
0x2b: {  	[tilespmem:$0x8240] =	vst v0  }
0x2c: {  	[tilespmem:$0x8250] =	vst v0  }
0x2d: {  	[tilespmem:$0x8260] =	vst v0  }
0x2e: {  	[tilespmem:$0x8270] =	vst v0  }
0x2f: {  	[tilespmem:$0x8280] =	vst v0  }
0x30: {  	[tilespmem:$0x8290] =	vst v0  }
0x31: {  	[tilespmem:$0x82A0] =	vst v0  }
0x32: {  	[tilespmem:$0x82B0] =	vst v0  }
0x33: {  	[tilespmem:$0x82C0] =	vst v0  }
0x34: {  	[tilespmem:$0x82D0] =	vst v0  }
0x35: {  	[tilespmem:$0x82E0] =	vst v0  }
0x36: {  	[tilespmem:$0x82F0] =	vst v0  }
0x37: {  	[tilespmem:$0x8000] =	vst v1  }
0x38: {  	[tilespmem:$0x8010] =	vst v1  }
0x39: {  	[tilespmem:$0x8020] =	vst v1  }
0x3a: {  	[spmem:s4] =	stream.linear.scatter [tilespmem:s8], [sflag:$0x2], $0x280, $0x38;
	[tilespmem:$0x8580] =	vst v63  }
0x3b: {  	_ =	swait.ge [sflag:s9], $0x280  }
0x3c: {  	[sflag:s9] =	ssyncset.done $0x0  }
0x3d: {  	[sflag:s9] =	ssyncadd.s32 $0xFFFFFD80  }
0x3e: {  	[bflag:$0x0] =	sbarrier.arrive $0xFFFF  }
0x3f: {  	[tilespmem:s3], [sflag:$0x2] =	stream.linear.gather [hbm4b:s5+s3], $0x7D00, $0x38;
	[tilespmem:$0x8580] =	vst v63  }
0x40: {  	_ =	swait.ge [sflag:s9], $0x7D00  }
0x41: {  	[sflag:s9] =	ssyncset.done $0x0  }
0x42: {  	s16 =	simm.s32 $0x0;
	[sflag:s9] =	ssyncadd.s32 $0xFFFF8300  }
0x43: {  	[spmem:s2] =	stream.indirect.scatter.add.f32 [tilespmem:s11], [sflag:$0x1], $0x1, s16, s10, $0xb8;
	[tilespmem:$0x8580] =	vst v63  }
0x44: {  	s22 =	simm.s32 $0x80  }
0x45: {  	[spmem:s2] =	stream.indirect.scatter.add.f32 [tilespmem:s11], [sflag:$0x1], $0x1, s22, s10, $0xb8;
	[tilespmem:$0x8580] =	vst v63  }
0x46: {  	s23 =	simm.s32 $0x100  }
0x47: {  	[spmem:s2] =	stream.indirect.scatter.add.f32 [tilespmem:s11], [sflag:$0x1], $0x1, s23, s10, $0xb8;
	[tilespmem:$0x8580] =	vst v63  }
0x48: {  	s24 =	simm.s32 $0x180  }
0x49: {  	[spmem:s2] =	stream.indirect.scatter.add.f32 [tilespmem:s11], [sflag:$0x1], $0x1, s24, s10, $0xb8;
	[tilespmem:$0x8580] =	vst v63  }
0x4a: {  	s25 =	simm.s32 $0x200  }
0x4b: {  	[spmem:s2] =	stream.indirect.scatter.add.f32 [tilespmem:s11], [sflag:$0x1], $0x1, s25, s10, $0xb8;
	[tilespmem:$0x8580] =	vst v63  }
0x4c: {  	s26 =	simm.s32 $0x280  }
0x4d: {  	[spmem:s2] =	stream.indirect.scatter.add.f32 [tilespmem:s11], [sflag:$0x1], $0x1, s26, s10, $0xb8;
	[tilespmem:$0x8580] =	vst v63  }
0x4e: {  	s28 =	simm.s32 $0x300  }
0x4f: {  	[spmem:s2] =	stream.indirect.scatter.add.f32 [tilespmem:s11], [sflag:$0x1], $0x1, s28, s10, $0xb8;
	[tilespmem:$0x8580] =	vst v63  }
0x50: {  	s29 =	simm.s32 $0x380  }
0x51: {  	[spmem:s2] =	stream.indirect.scatter.add.f32 [tilespmem:s11], [sflag:$0x1], $0x1, s29, s10, $0xb8;
	[tilespmem:$0x8580] =	vst v63  }
0x52: {  	s30 =	simm.s32 $0x400  }
0x53: {  	[spmem:s2] =	stream.indirect.scatter.add.f32 [tilespmem:s11], [sflag:$0x1], $0x1, s30, s10, $0xb8;
	[tilespmem:$0x8580] =	vst v63  }
0x54: {  	s31 =	simm.s32 $0x480  }
0x55: {  	[spmem:s2] =	stream.indirect.scatter.add.f32 [tilespmem:s11], [sflag:$0x1], $0x1, s31, s10, $0xb8;
	[tilespmem:$0x8580] =	vst v63  }
0x56: {  	_ =	swait.ge [sflag:s12], $0x28  }
0x57: {  	[sflag:s12] =	ssyncset.done $0x0  }
0x58: {  	[sflag:s12] =	ssyncadd.s32 $0xFFFFFFD8  }
0x59: {  	_ =	swait.ge [sflag:s12], $0x28  }
0x5a: {  	[sflag:s12] =	ssyncset.done $0x0  }
0x5b: {  	[sflag:s12] =	ssyncadd.s32 $0xFFFFFFD8  }
0x5c: {  	_ =	swait.ge [sflag:s12], $0x28  }
0x5d: {  	[sflag:s12] =	ssyncset.done $0x0  }
0x5e: {  	[sflag:s12] =	ssyncadd.s32 $0xFFFFFFD8  }
0x5f: {  	_ =	swait.ge [sflag:s12], $0x28  }
0x60: {  	[sflag:s12] =	ssyncset.done $0x0  }
0x61: {  	[sflag:s12] =	ssyncadd.s32 $0xFFFFFFD8  }
0x62: {  	_ =	swait.ge [sflag:s12], $0x28  }
0x63: {  	[sflag:s12] =	ssyncset.done $0x0  }
0x64: {  	[sflag:s12] =	ssyncadd.s32 $0xFFFFFFD8  }
0x65: {  	_ =	swait.ge [sflag:s12], $0x28  }
0x66: {  	[sflag:s12] =	ssyncset.done $0x0  }
0x67: {  	[sflag:s12] =	ssyncadd.s32 $0xFFFFFFD8  }
0x68: {  	_ =	swait.ge [sflag:s12], $0x28  }
0x69: {  	[sflag:s12] =	ssyncset.done $0x0  }
0x6a: {  	[sflag:s12] =	ssyncadd.s32 $0xFFFFFFD8  }
0x6b: {  	_ =	swait.ge [sflag:s12], $0x28  }
0x6c: {  	[sflag:s12] =	ssyncset.done $0x0  }
0x6d: {  	[sflag:s12] =	ssyncadd.s32 $0xFFFFFFD8  }
0x6e: {  	_ =	swait.ge [sflag:s12], $0x28  }
0x6f: {  	[sflag:s12] =	ssyncset.done $0x0  }
0x70: {  	[sflag:s12] =	ssyncadd.s32 $0xFFFFFFD8  }
0x71: {  	_ =	swait.ge [sflag:s12], $0x28  }
0x72: {  	s18 =	simm.s32 $0x2800;
	s16 =	simm.s32 $0x1400;
	[sflag:s12] =	ssyncset.done $0x0  }
.LBB2_2:
0x73: {  	s19 =	sshra.s32 s16, $0x2  }
0x74: {  	[sflag:s12] =	ssyncadd.s32 $0xFFFFFFD8;
	s16 =	smov.u32 s18;
	s17 =	sadd.s32 $0x1400, s18  }
0x75: {  	[spmem:s2] =	stream.indirect.scatter.add.f32 [tilespmem:s11], [sflag:$0x1], $0x1, s19, s10, $0xb8;
	[tilespmem:$0x8580] =	vst v63  }
0x76: {  	p0 =	sne.s32 s18, $0x1E000;
	s18 =	sadd.s32 $0x80, s19  }
0x77: {  	[spmem:s2] =	stream.indirect.scatter.add.f32 [tilespmem:s11], [sflag:$0x1], $0x1, s18, s10, $0xb8;
	[tilespmem:$0x8580] =	vst v63  }
0x78: {  	s18 =	sadd.s32 $0x100, s19  }
0x79: {  	[spmem:s2] =	stream.indirect.scatter.add.f32 [tilespmem:s11], [sflag:$0x1], $0x1, s18, s10, $0xb8;
	[tilespmem:$0x8580] =	vst v63  }
0x7a: {  	s18 =	sadd.s32 $0x180, s19  }
0x7b: {  	[spmem:s2] =	stream.indirect.scatter.add.f32 [tilespmem:s11], [sflag:$0x1], $0x1, s18, s10, $0xb8;
	[tilespmem:$0x8580] =	vst v63  }
0x7c: {  	s18 =	sadd.s32 $0x200, s19  }
0x7d: {  	[spmem:s2] =	stream.indirect.scatter.add.f32 [tilespmem:s11], [sflag:$0x1], $0x1, s18, s10, $0xb8;
	[tilespmem:$0x8580] =	vst v63  }
0x7e: {  	s18 =	sadd.s32 $0x280, s19  }
0x7f: {  	[spmem:s2] =	stream.indirect.scatter.add.f32 [tilespmem:s11], [sflag:$0x1], $0x1, s18, s10, $0xb8;
	[tilespmem:$0x8580] =	vst v63  }
0x80: {  	s18 =	sadd.s32 $0x300, s19  }
0x81: {  	[spmem:s2] =	stream.indirect.scatter.add.f32 [tilespmem:s11], [sflag:$0x1], $0x1, s18, s10, $0xb8;
	[tilespmem:$0x8580] =	vst v63  }
0x82: {  	s18 =	sadd.s32 $0x380, s19  }
0x83: {  	[spmem:s2] =	stream.indirect.scatter.add.f32 [tilespmem:s11], [sflag:$0x1], $0x1, s18, s10, $0xb8;
	[tilespmem:$0x8580] =	vst v63  }
0x84: {  	s18 =	sadd.s32 $0x400, s19  }
0x85: {  	[spmem:s2] =	stream.indirect.scatter.add.f32 [tilespmem:s11], [sflag:$0x1], $0x1, s18, s10, $0xb8;
	[tilespmem:$0x8580] =	vst v63  }
0x86: {  	s18 =	sadd.s32 $0x480, s19  }
0x87: {  	[spmem:s2] =	stream.indirect.scatter.add.f32 [tilespmem:s11], [sflag:$0x1], $0x1, s18, s10, $0xb8;
	[tilespmem:$0x8580] =	vst v63  }
0x88: {  	_ =	swait.ge [sflag:s12], $0x28  }
0x89: {  	[sflag:s12] =	ssyncset.done $0x0  }
0x8a: {  	[sflag:s12] =	ssyncadd.s32 $0xFFFFFFD8  }
0x8b: {  	_ =	swait.ge [sflag:s12], $0x28  }
0x8c: {  	[sflag:s12] =	ssyncset.done $0x0  }
0x8d: {  	[sflag:s12] =	ssyncadd.s32 $0xFFFFFFD8  }
0x8e: {  	_ =	swait.ge [sflag:s12], $0x28  }
0x8f: {  	[sflag:s12] =	ssyncset.done $0x0  }
0x90: {  	[sflag:s12] =	ssyncadd.s32 $0xFFFFFFD8  }
0x91: {  	_ =	swait.ge [sflag:s12], $0x28  }
0x92: {  	[sflag:s12] =	ssyncset.done $0x0  }
0x93: {  	[sflag:s12] =	ssyncadd.s32 $0xFFFFFFD8  }
0x94: {  	_ =	swait.ge [sflag:s12], $0x28  }
0x95: {  	[sflag:s12] =	ssyncset.done $0x0  }
0x96: {  	[sflag:s12] =	ssyncadd.s32 $0xFFFFFFD8  }
0x97: {  	_ =	swait.ge [sflag:s12], $0x28  }
0x98: {  	[sflag:s12] =	ssyncset.done $0x0  }
0x99: {  	[sflag:s12] =	ssyncadd.s32 $0xFFFFFFD8  }
0x9a: {  	_ =	swait.ge [sflag:s12], $0x28  }
0x9b: {  	[sflag:s12] =	ssyncset.done $0x0  }
0x9c: {  	[sflag:s12] =	ssyncadd.s32 $0xFFFFFFD8  }
0x9d: {  	_ =	swait.ge [sflag:s12], $0x28  }
0x9e: {  	[sflag:s12] =	ssyncset.done $0x0  }
0x9f: {  	[sflag:s12] =	ssyncadd.s32 $0xFFFFFFD8  }
.Ltmp0:
0xa0: {  	_ =	swait.ge [sflag:s12], $0x28;
	(pc) =	sbr.rel @p0 .LBB2_2-.Ltmp0, $4  }
0xa1: {  	[sflag:s12] =	ssyncset.done $0x0  }
0xa2: {  	[sflag:s12] =	ssyncadd.s32 $0xFFFFFFD8  }
0xa3: {  	_ =	swait.ge [sflag:s12], $0x28  }
0xa4: {  	s18 =	smov.u32 s17;
	[sflag:s12] =	ssyncset.done $0x0  }
0xa5: {  	s16 =	sshra.s32 s16, $0x2;
	[sflag:s12] =	ssyncadd.s32 $0xFFFFFFD8  }
0xa6: {  	[spmem:s2] =	stream.indirect.scatter.add.f32 [tilespmem:s11], [sflag:$0x1], $0x1, s16, s10, $0xb8;
	[tilespmem:$0x8580] =	vst v63  }
0xa7: {  	s17 =	sadd.s32 $0x80, s16  }
0xa8: {  	[spmem:s2] =	stream.indirect.scatter.add.f32 [tilespmem:s11], [sflag:$0x1], $0x1, s17, s10, $0xb8;
	[tilespmem:$0x8580] =	vst v63  }
0xa9: {  	s24 =	sadd.s32 $0x100, s16  }
0xaa: {  	[spmem:s2] =	stream.indirect.scatter.add.f32 [tilespmem:s11], [sflag:$0x1], $0x1, s24, s10, $0xb8;
	[tilespmem:$0x8580] =	vst v63  }
0xab: {  	s25 =	sadd.s32 $0x180, s16  }
0xac: {  	[spmem:s2] =	stream.indirect.scatter.add.f32 [tilespmem:s11], [sflag:$0x1], $0x1, s25, s10, $0xb8;
	[tilespmem:$0x8580] =	vst v63  }
0xad: {  	s26 =	sadd.s32 $0x200, s16  }
0xae: {  	[spmem:s2] =	stream.indirect.scatter.add.f32 [tilespmem:s11], [sflag:$0x1], $0x1, s26, s10, $0xb8;
	[tilespmem:$0x8580] =	vst v63  }
0xaf: {  	s28 =	sadd.s32 $0x280, s16  }
0xb0: {  	[spmem:s2] =	stream.indirect.scatter.add.f32 [tilespmem:s11], [sflag:$0x1], $0x1, s28, s10, $0xb8;
	[tilespmem:$0x8580] =	vst v63  }
0xb1: {  	s29 =	sadd.s32 $0x300, s16  }
0xb2: {  	[spmem:s2] =	stream.indirect.scatter.add.f32 [tilespmem:s11], [sflag:$0x1], $0x1, s29, s10, $0xb8;
	[tilespmem:$0x8580] =	vst v63  }
0xb3: {  	s30 =	sadd.s32 $0x380, s16  }
0xb4: {  	[spmem:s2] =	stream.indirect.scatter.add.f32 [tilespmem:s11], [sflag:$0x1], $0x1, s30, s10, $0xb8;
	[tilespmem:$0x8580] =	vst v63  }
0xb5: {  	s31 =	sadd.s32 $0x400, s16  }
0xb6: {  	[spmem:s2] =	stream.indirect.scatter.add.f32 [tilespmem:s11], [sflag:$0x1], $0x1, s31, s10, $0xb8;
	[tilespmem:$0x8580] =	vst v63  }
0xb7: {  	s16 =	sadd.s32 $0x480, s16  }
0xb8: {  	[spmem:s2] =	stream.indirect.scatter.add.f32 [tilespmem:s11], [sflag:$0x1], $0x1, s16, s10, $0xb8;
	[tilespmem:$0x8580] =	vst v63  }
0xb9: {  	_ =	swait.ge [sflag:s12], $0x28  }
0xba: {  	[sflag:s12] =	ssyncset.done $0x0  }
0xbb: {  	[sflag:s12] =	ssyncadd.s32 $0xFFFFFFD8  }
0xbc: {  	_ =	swait.ge [sflag:s12], $0x28  }
0xbd: {  	[sflag:s12] =	ssyncset.done $0x0  }
0xbe: {  	[sflag:s12] =	ssyncadd.s32 $0xFFFFFFD8  }
0xbf: {  	_ =	swait.ge [sflag:s12], $0x28  }
0xc0: {  	[sflag:s12] =	ssyncset.done $0x0  }
0xc1: {  	[sflag:s12] =	ssyncadd.s32 $0xFFFFFFD8  }
0xc2: {  	_ =	swait.ge [sflag:s12], $0x28  }
0xc3: {  	[sflag:s12] =	ssyncset.done $0x0  }
0xc4: {  	[sflag:s12] =	ssyncadd.s32 $0xFFFFFFD8  }
0xc5: {  	_ =	swait.ge [sflag:s12], $0x28  }
0xc6: {  	[sflag:s12] =	ssyncset.done $0x0  }
0xc7: {  	[sflag:s12] =	ssyncadd.s32 $0xFFFFFFD8  }
0xc8: {  	_ =	swait.ge [sflag:s12], $0x28  }
0xc9: {  	[sflag:s12] =	ssyncset.done $0x0  }
0xca: {  	[sflag:s12] =	ssyncadd.s32 $0xFFFFFFD8  }
0xcb: {  	_ =	swait.ge [sflag:s12], $0x28  }
0xcc: {  	[sflag:s12] =	ssyncset.done $0x0  }
0xcd: {  	[sflag:s12] =	ssyncadd.s32 $0xFFFFFFD8  }
0xce: {  	_ =	swait.ge [sflag:s12], $0x28  }
0xcf: {  	[sflag:s12] =	ssyncset.done $0x0  }
0xd0: {  	[sflag:s12] =	ssyncadd.s32 $0xFFFFFFD8  }
0xd1: {  	_ =	swait.ge [sflag:s12], $0x28  }
0xd2: {  	[sflag:s12] =	ssyncset.done $0x0  }
0xd3: {  	[sflag:s12] =	ssyncadd.s32 $0xFFFFFFD8  }
0xd4: {  	_ =	swait.ge [sflag:s12], $0x28  }
0xd5: {  	s15 =	sadd.s32 $0x1, s15;
	[sflag:s12] =	ssyncset.done $0x0  }
0xd6: {  	p0 =	sne.s32 s15, s7;
	[sflag:s12] =	ssyncadd.s32 $0xFFFFFFD8  }
.Ltmp1:
0xd7: {  	[bflag:$0x0] =	sbarrier.arrive $0xFFFF;
	(pc) =	sbr.rel @p0 .LBB2_1-.Ltmp1, $4  }
0xd8: {  	[hbm:s6], [sflag:s13] =	dma.local [spmem:s14], $0x50  }
0xd9: {  	_ =	swait.ge [sflag:s9], $0x50  }
0xda: {  	[sflag:s9] =	ssyncset.done $0x0  }
0xdb: {  	[sflag:s9] =	ssyncadd.s32 $0xFFFFFFB0  }
0xdc: {  	_ =	sfence.sel $0x180000  }
0xdd: {  	[bflag:$0x0] =	sbarrier.arrive $0xFFFF  }
0xde: {  	p0 =	sne.s32 s1, $0x0;
	_ =	strace $0x90000047  }
0xdf: {  	s0 =	sadd.s32 @!p0 $0x100000, s0;
	[bflag:$0x2] =	sbarrier.arrive $0xFFFF  }
0xe0: {  	[sflag:s0] =	ssyncadd.tile.s32 @!p0 $0x1;
	_ =	shalt  }
.Lfunc_end2:
_tile_overlayer_lowered:
.L_overlay_start_2:
0xe1: {  	(tag) =	ssettag $0x2  }
0xe2: {  	s0 =	rddreg [dreg:$0x0];
	s2 =	stileid.u32  }
0xe3: {  	s1 =	rddreg [dreg:$0x1];
	p0 =	sne.s32 s2, $0x0  }
0xe4: {  	s3 =	rddreg [dreg:$0x2];
	[bflag:$0x3] =	sbarrier.arrive $0xFFFF;
	s2 =	simm.s32 @!p0 $0x1C02  }
0xe5: {  	[timem:s3], [sflag:s2] =	dma.local @!p0 [hbm:s0], s1  }
0xe6: {  	s0 =	simm.s32 @!p0 $0x2  }
0xe7: {  	_ =	swait.ge @!p0 [sflag:s0], s1  }
0xe8: {  	s1 =	ssub.s32 @!p0 $0x0, s1;
	[sflag:s0] =	ssyncset.done @!p0 $0x0  }
0xe9: {  	[sflag:s0] =	ssyncadd.s32 @!p0 s1  }
0xea: {  	[bflag:$0x3] =	sbarrier.arrive $0xFFFF  }
0xeb: {  	_ =	shalt  }

</sc_bundles>
